<compile_context>
chip_gen: v7x
topology: tpu7x:2x2x1
jax: 0.10.2.dev20260603
libtpu: 0.0.44.dev20260713+nightly
codegen_flags: <defaults>
</compile_context>

<pallas_src>
import functools

import jax
import jax.numpy as jnp
from jax import lax
from jax.experimental import pallas as pl
from jax.experimental.pallas import tpu as pltpu
from jax.experimental.pallas import tpu_sc as plsc

_N = 10000
_E = 320000
_D_IN = 128
_HID = 64
_D_OUT = 128

_NC = 2
_NS = 16
_NW = _NC * _NS
_SUB = 128
_SUBS_PER_W = 80
_EPAD = _NW * _SUBS_PER_W * _SUB
_NBUF = 2
_GRP = 2 * _NBUF
_NITER = _SUBS_PER_W // _GRP
_NPAD = 10240
_ROWS_PER_TILE = _NPAD // _NS


def _make_seg_kernel(with_deg: bool):
  mesh = plsc.VectorSubcoreMesh(core_axis_name="c", subcore_axis_name="s")

  out_type = [jax.ShapeDtypeStruct((_NC * _NPAD, _HID), jnp.float32)]
  scratch = [
      pltpu.VMEM_SHARED((_NPAD, _HID), jnp.float32),
      pltpu.VMEM_SHARED((_NPAD, _HID), jnp.float32),
      pltpu.VMEM((_GRP * _SUB,), jnp.int32),
      pltpu.VMEM((_GRP, _SUB), jnp.int32),
      [pltpu.VMEM((_NBUF * _SUB, _HID), jnp.float32) for _ in range(2)],
      [pltpu.SemaphoreType.DMA, pltpu.SemaphoreType.DMA],
  ]
  if with_deg:
    out_type.append(jax.ShapeDtypeStruct((_NC * _NPAD, 8), jnp.float32))
    scratch += [
        pltpu.VMEM_SHARED((_NPAD, 8), jnp.float32),
        pltpu.VMEM((_SUB, 8), jnp.float32),
    ]

  def body(*refs):
    if with_deg:
      (y_hbm, src_hbm, dst_hbm, z64_hbm, z8_hbm, ones_hbm,
       out_hbm, deg_hbm, acc, tbl, srcb, dstb, rows, sems, dacc, onesb) = refs
    else:
      (y_hbm, src_hbm, dst_hbm, z64_hbm,
       out_hbm, acc, tbl, srcb, dstb, rows, sems) = refs
    c = lax.axis_index("c")
    s = lax.axis_index("s")
    wid = s * _NC + c
    r0 = s * _ROWS_PER_TILE

    pltpu.sync_copy(z64_hbm.at[pl.ds(r0, _ROWS_PER_TILE)],
                    acc.at[pl.ds(r0, _ROWS_PER_TILE)])
    pltpu.sync_copy(y_hbm.at[pl.ds(r0, _ROWS_PER_TILE)],
                    tbl.at[pl.ds(r0, _ROWS_PER_TILE)])
    if with_deg:
      pltpu.sync_copy(z8_hbm.at[pl.ds(r0, _ROWS_PER_TILE)],
                      dacc.at[pl.ds(r0, _ROWS_PER_TILE)])
      pltpu.sync_copy(ones_hbm, onesb)
    plsc.subcore_barrier()

    base_row = wid * _SUBS_PER_W

    def group(g, carry):
      pltpu.sync_copy(src_hbm.at[pl.ds((base_row + g * _GRP) * _SUB, _GRP * _SUB)], srcb)
      pltpu.sync_copy(dst_hbm.at[pl.ds(base_row + g * _GRP, _GRP)], dstb)
      descs = [
          pltpu.async_copy(tbl.at[srcb.at[pl.ds(h * _NBUF * _SUB, _NBUF * _SUB)]],
                           rows[h], sems[h])
          for h in range(2)
      ]
      for h in range(2):
        descs[h].wait()
        for u in range(_NBUF):
          pltpu.sync_copy(rows[h].at[pl.ds(u * _SUB, _SUB)],
                          acc.at[dstb.at[h * _NBUF + u]], add=True)
          if with_deg:
            pltpu.sync_copy(onesb, dacc.at[dstb.at[h * _NBUF + u]], add=True)
      return carry

    lax.fori_loop(0, _NITER, group, 0)
    plsc.subcore_barrier()

    pltpu.sync_copy(acc.at[pl.ds(r0, _ROWS_PER_TILE)],
                    out_hbm.at[pl.ds(c * _NPAD + r0, _ROWS_PER_TILE)])
    if with_deg:
      pltpu.sync_copy(dacc.at[pl.ds(r0, _ROWS_PER_TILE)],
                      deg_hbm.at[pl.ds(c * _NPAD + r0, _ROWS_PER_TILE)])

  return pl.kernel(body, out_type=tuple(out_type) if with_deg else out_type[0],
                   mesh=mesh, scratch_types=scratch,
                   compiler_params=pltpu.CompilerParams(use_tc_tiling_on_sc=False))


_seg_deg = _make_seg_kernel(with_deg=True)
_seg = _make_seg_kernel(with_deg=False)


def _mm1_body(x_ref, w_ref, y_ref, yr_ref):
  xw = jnp.dot(x_ref[...], w_ref[...], preferred_element_type=jnp.float32)
  y_ref[...] = xw[:, :_HID]
  yr_ref[...] = xw[:, _HID:]


_mm1 = pl.pallas_call(
    _mm1_body,
    out_shape=(jax.ShapeDtypeStruct((_NPAD, _HID), jnp.float32),
               jax.ShapeDtypeStruct((_NPAD, _HID), jnp.float32)),
)


def _h_body(s1_ref, deg_ref, xr_ref, b_ref, h_ref, rdeg_ref):
  deg = deg_ref[: _NPAD] + deg_ref[_NPAD:]
  rdeg = 1.0 / jnp.maximum(deg, 1.0)
  s1 = s1_ref[: _NPAD] + s1_ref[_NPAD:]
  mean = s1 * rdeg[:, :1]
  h_ref[...] = jnp.maximum(mean + b_ref[...] + xr_ref[...], 0.0)
  rdeg_ref[...] = rdeg


_hk = pl.pallas_call(
    _h_body,
    out_shape=(jax.ShapeDtypeStruct((_NPAD, _HID), jnp.float32),
               jax.ShapeDtypeStruct((_NPAD, 8), jnp.float32)),
)


def _out_body(s2_ref, rdeg_ref, h_ref, wl_ref, wr_ref, b_ref, o_ref):
  s2 = s2_ref[: _NPAD] + s2_ref[_NPAD:]
  mean = s2 * rdeg_ref[:, :1]
  o_ref[...] = (
      jnp.dot(mean, wl_ref[...], preferred_element_type=jnp.float32)
      + jnp.dot(h_ref[...], wr_ref[...], preferred_element_type=jnp.float32)
      + b_ref[...]
  )


_outk = pl.pallas_call(
    _out_body,
    out_shape=jax.ShapeDtypeStruct((_NPAD, _D_OUT), jnp.float32),
)


@jax.jit
def kernel(x, edge_index, W_l1, b_l1, W_r1, W_l2, b_l2, W_r2):
  src = edge_index[0]
  dst = edge_index[1]
  pad_e = _EPAD - _E
  src_p = jnp.concatenate([src, jnp.full((pad_e,), _N, jnp.int32)])
  dst_pad = _N + (jnp.arange(pad_e, dtype=jnp.int32) % (_NPAD - _N))
  dst_p = jnp.concatenate([dst, dst_pad]).reshape(-1, _SUB)
  x_p = jnp.pad(x, ((0, _NPAD - _N), (0, 0)))

  z64 = jnp.zeros((_NPAD, _HID), jnp.float32)
  z8 = jnp.zeros((_NPAD, 8), jnp.float32)
  ones8 = jnp.ones((_SUB, 8), jnp.float32)

  w1 = jnp.concatenate([W_l1, W_r1], axis=1)
  y1, xr1 = _mm1(x_p, w1)

  s1_parts, deg_parts = _seg_deg(y1, src_p, dst_p, z64, z8, ones8)
  h, rdeg = _hk(s1_parts, deg_parts, xr1, b_l1.reshape(1, _HID))

  s2_parts = _seg(h, src_p, dst_p, z64)
  out = _outk(s2_parts, rdeg, h, W_l2, W_r2, b_l2.reshape(1, _D_OUT))
  return out[:_N]

# --- scband reference (transcript-rebuilt; emitter-appended) ---
"""Pipeline reference for scband-graph-sage-2164663517731 (READ-ONLY COPY).

The authoritative reference and input builder live on the scoring server;
editing this copy changes nothing except your own understanding.
"""

import jax, jax.numpy as jnp
import numpy as np

N = 10000
E = 320000
D_IN = 128
HID = 64
D_OUT = 128


def setup_inputs(seed: int = 0) -> dict:
    key = jax.random.key(seed)
    ks = jax.random.split(key, 9)
    x = jax.random.normal(ks[0], (N, D_IN), dtype=jnp.float32)
    edge_index = jax.random.randint(ks[1], (2, E), 0, N, dtype=jnp.int32)
    # SAGEConv layer 1: in=D_IN, out=HID (lin_l has bias, lin_r no bias, like PyG)
    W_l1 = jax.random.normal(ks[2], (D_IN, HID), dtype=jnp.float32) * (1.0 / np.sqrt(D_IN))
    b_l1 = jnp.zeros((HID,), dtype=jnp.float32)
    W_r1 = jax.random.normal(ks[3], (D_IN, HID), dtype=jnp.float32) * (1.0 / np.sqrt(D_IN))
    # SAGEConv layer 2: in=HID, out=D_OUT
    W_l2 = jax.random.normal(ks[4], (HID, D_OUT), dtype=jnp.float32) * (1.0 / np.sqrt(HID))
    b_l2 = jnp.zeros((D_OUT,), dtype=jnp.float32)
    W_r2 = jax.random.normal(ks[5], (HID, D_OUT), dtype=jnp.float32) * (1.0 / np.sqrt(HID))
    return {
        "x": x,
        "edge_index": edge_index,
        "W_l1": W_l1,
        "b_l1": b_l1,
        "W_r1": W_r1,
        "W_l2": W_l2,
        "b_l2": b_l2,
        "W_r2": W_r2,
    }


def _sage_conv(x, src, dst, W_l, b_l, W_r):
    # message passing: gather source node features along each edge
    msgs = jnp.take(x, src, axis=0)
    # mean aggregation onto destination nodes (scatter-add + degree normalize)
    agg = jax.ops.segment_sum(msgs, dst, num_segments=N)
    deg = jax.ops.segment_sum(jnp.ones((src.shape[0],), jnp.float32), dst, num_segments=N)
    mean = agg / jnp.clip(deg, 1.0)[:, None]
    # PyG SAGEConv: lin_l(aggregated) + lin_r(root)
    return mean @ W_l + b_l + x @ W_r


def reference(x, edge_index, W_l1, b_l1, W_r1, W_l2, b_l2, W_r2):
    src = edge_index[0]
    dst = edge_index[1]
    h = jax.nn.relu(_sage_conv(x, src, dst, W_l1, b_l1, W_r1))
    out = _sage_conv(h, src, dst, W_l2, b_l2, W_r2)
    return out

if __name__ == "__main__":
    import jax
    _d = setup_inputs()
    print(jax.jit(kernel)(*tuple(_d.values())))

</pallas_src>

<mosaic_0001>
#map = affine_map<(d0, d1) -> (0, 0)>
#map1 = affine_map<(d0, d1) -> (0)>
module attributes {stable_mosaic.version = 14 : i64} {
  func.func @body(%arg0: i32, %arg1: i32, %arg2: memref<10240x64xf32, #tpu.memory_space<hbm>>, %arg3: memref<327680xi32, #tpu.memory_space<hbm>>, %arg4: memref<2560x128xi32, #tpu.memory_space<hbm>>, %arg5: memref<10240x64xf32, #tpu.memory_space<hbm>>, %arg6: memref<10240x8xf32, #tpu.memory_space<hbm>>, %arg7: memref<128x8xf32, #tpu.memory_space<hbm>>, %arg8: memref<20480x64xf32, #tpu.memory_space<hbm>>, %arg9: memref<20480x8xf32, #tpu.memory_space<hbm>>, %arg10: memref<10240x64xf32, #tpu.memory_space<vmem_shared>>, %arg11: memref<10240x64xf32, #tpu.memory_space<vmem_shared>>, %arg12: memref<512xi32, #tpu.memory_space<vmem>>, %arg13: memref<4x128xi32, #tpu.memory_space<vmem>>, %arg14: memref<256x64xf32, #tpu.memory_space<vmem>>, %arg15: memref<256x64xf32, #tpu.memory_space<vmem>>, %arg16: memref<!tpu.dma_semaphore, #tpu.memory_space<semaphore_mem>>, %arg17: memref<!tpu.dma_semaphore, #tpu.memory_space<semaphore_mem>>, %arg18: memref<10240x8xf32, #tpu.memory_space<vmem_shared>>, %arg19: memref<128x8xf32, #tpu.memory_space<vmem>>) attributes {dimension_semantics = [#tpu.dimension_semantics<core_parallel>, #tpu.dimension_semantics<subcore_parallel>], iteration_bounds = array<i64: 2, 16>, scalar_prefetch = 0 : i64, scratch_operands = 10 : i64, tpu.core_type = #tpu.core_type<sc_vector_subcore>, window_params = [{transform_indices = #map}, {transform_indices = #map1}, {transform_indices = #map}, {transform_indices = #map}, {transform_indices = #map}, {transform_indices = #map}, {transform_indices = #map}, {transform_indices = #map}]} {
    %mul3A = arith.constant 2 : i32
    %mul3A_0 = arith.muli %arg1, %mul3A : i32
    %add3A = arith.addi %mul3A_0, %arg0 : i32
    %mul3A_1 = arith.constant 640 : i32
    %mul3A_2 = arith.muli %arg1, %mul3A_1 : i32
    "tpu.region"() ({
      %run_scoped3A = tpu.sem_alloc : memref<!tpu.dma_semaphore, #tpu.memory_space<semaphore_mem>>
      %dma_start3A = arith.constant 0 : i32
      %dma_start3A_17 = tpu.memref_slice %arg10[%mul3A_2, %dma_start3A] : memref<10240x64xf32, #tpu.memory_space<vmem_shared>> -> memref<640x64xf32, #tpu.memory_space<vmem_shared>>
      %dma_start3A_18 = arith.constant 0 : i32
      %dma_start3A_19 = tpu.memref_slice %arg5[%mul3A_2, %dma_start3A_18] : memref<10240x64xf32, #tpu.memory_space<hbm>> -> memref<640x64xf32, #tpu.memory_space<hbm>>
      tpu.enqueue_dma source(%dma_start3A_19 : memref<640x64xf32, #tpu.memory_space<hbm>>) target(%dma_start3A_17 : memref<640x64xf32, #tpu.memory_space<vmem_shared>>) target_semaphore(%run_scoped3A : memref<!tpu.dma_semaphore, #tpu.memory_space<semaphore_mem>>)
      %dma_wait3A = arith.constant 0 : i32
      %dma_wait3A_20 = tpu.memref_slice %arg10[%mul3A_2, %dma_wait3A] : memref<10240x64xf32, #tpu.memory_space<vmem_shared>> -> memref<640x64xf32, #tpu.memory_space<vmem_shared>>
      %dma_wait3A_21 = arith.constant 0 : i32
      %dma_wait3A_22 = tpu.memref_slice %arg5[%mul3A_2, %dma_wait3A_21] : memref<10240x64xf32, #tpu.memory_space<hbm>> -> memref<640x64xf32, #tpu.memory_space<hbm>>
      tpu.wait_dma2 semaphore(%run_scoped3A : memref<!tpu.dma_semaphore, #tpu.memory_space<semaphore_mem>>) src(%dma_wait3A_22 : memref<640x64xf32, #tpu.memory_space<hbm>>) dst(%dma_wait3A_20 : memref<640x64xf32, #tpu.memory_space<vmem_shared>>)
      tpu.yield
    }) : () -> ()
    "tpu.region"() ({
      %run_scoped3A = tpu.sem_alloc : memref<!tpu.dma_semaphore, #tpu.memory_space<semaphore_mem>>
      %dma_start3A = arith.constant 0 : i32
      %dma_start3A_17 = tpu.memref_slice %arg11[%mul3A_2, %dma_start3A] : memref<10240x64xf32, #tpu.memory_space<vmem_shared>> -> memref<640x64xf32, #tpu.memory_space<vmem_shared>>
      %dma_start3A_18 = arith.constant 0 : i32
      %dma_start3A_19 = tpu.memref_slice %arg2[%mul3A_2, %dma_start3A_18] : memref<10240x64xf32, #tpu.memory_space<hbm>> -> memref<640x64xf32, #tpu.memory_space<hbm>>
      tpu.enqueue_dma source(%dma_start3A_19 : memref<640x64xf32, #tpu.memory_space<hbm>>) target(%dma_start3A_17 : memref<640x64xf32, #tpu.memory_space<vmem_shared>>) target_semaphore(%run_scoped3A : memref<!tpu.dma_semaphore, #tpu.memory_space<semaphore_mem>>)
      %dma_wait3A = arith.constant 0 : i32
      %dma_wait3A_20 = tpu.memref_slice %arg11[%mul3A_2, %dma_wait3A] : memref<10240x64xf32, #tpu.memory_space<vmem_shared>> -> memref<640x64xf32, #tpu.memory_space<vmem_shared>>
      %dma_wait3A_21 = arith.constant 0 : i32
      %dma_wait3A_22 = tpu.memref_slice %arg2[%mul3A_2, %dma_wait3A_21] : memref<10240x64xf32, #tpu.memory_space<hbm>> -> memref<640x64xf32, #tpu.memory_space<hbm>>
      tpu.wait_dma2 semaphore(%run_scoped3A : memref<!tpu.dma_semaphore, #tpu.memory_space<semaphore_mem>>) src(%dma_wait3A_22 : memref<640x64xf32, #tpu.memory_space<hbm>>) dst(%dma_wait3A_20 : memref<640x64xf32, #tpu.memory_space<vmem_shared>>)
      tpu.yield
    }) : () -> ()
    "tpu.region"() ({
      %run_scoped3A = tpu.sem_alloc : memref<!tpu.dma_semaphore, #tpu.memory_space<semaphore_mem>>
      %dma_start3A = arith.constant 0 : i32
      %dma_start3A_17 = tpu.memref_slice %arg18[%mul3A_2, %dma_start3A] : memref<10240x8xf32, #tpu.memory_space<vmem_shared>> -> memref<640x8xf32, #tpu.memory_space<vmem_shared>>
      %dma_start3A_18 = arith.constant 0 : i32
      %dma_start3A_19 = tpu.memref_slice %arg6[%mul3A_2, %dma_start3A_18] : memref<10240x8xf32, #tpu.memory_space<hbm>> -> memref<640x8xf32, #tpu.memory_space<hbm>>
      tpu.enqueue_dma source(%dma_start3A_19 : memref<640x8xf32, #tpu.memory_space<hbm>>) target(%dma_start3A_17 : memref<640x8xf32, #tpu.memory_space<vmem_shared>>) target_semaphore(%run_scoped3A : memref<!tpu.dma_semaphore, #tpu.memory_space<semaphore_mem>>)
      %dma_wait3A = arith.constant 0 : i32
      %dma_wait3A_20 = tpu.memref_slice %arg18[%mul3A_2, %dma_wait3A] : memref<10240x8xf32, #tpu.memory_space<vmem_shared>> -> memref<640x8xf32, #tpu.memory_space<vmem_shared>>
      %dma_wait3A_21 = arith.constant 0 : i32
      %dma_wait3A_22 = tpu.memref_slice %arg6[%mul3A_2, %dma_wait3A_21] : memref<10240x8xf32, #tpu.memory_space<hbm>> -> memref<640x8xf32, #tpu.memory_space<hbm>>
      tpu.wait_dma2 semaphore(%run_scoped3A : memref<!tpu.dma_semaphore, #tpu.memory_space<semaphore_mem>>) src(%dma_wait3A_22 : memref<640x8xf32, #tpu.memory_space<hbm>>) dst(%dma_wait3A_20 : memref<640x8xf32, #tpu.memory_space<vmem_shared>>)
      tpu.yield
    }) : () -> ()
    "tpu.region"() ({
      %run_scoped3A = tpu.sem_alloc : memref<!tpu.dma_semaphore, #tpu.memory_space<semaphore_mem>>
      tpu.enqueue_dma source(%arg7 : memref<128x8xf32, #tpu.memory_space<hbm>>) target(%arg19 : memref<128x8xf32, #tpu.memory_space<vmem>>) target_semaphore(%run_scoped3A : memref<!tpu.dma_semaphore, #tpu.memory_space<semaphore_mem>>)
      tpu.wait_dma2 semaphore(%run_scoped3A : memref<!tpu.dma_semaphore, #tpu.memory_space<semaphore_mem>>) src(%arg7 : memref<128x8xf32, #tpu.memory_space<hbm>>) dst(%arg19 : memref<128x8xf32, #tpu.memory_space<vmem>>)
      tpu.yield
    }) : () -> ()
    %barrier3A = arith.constant 0 : index
    tpu.barrier barrier_id(%barrier3A)
    %mul3A_3 = arith.constant 80 : i32
    %mul3A_4 = arith.muli %add3A, %mul3A_3 : i32
    %scan3A = arith.constant 0 : i32
    %scan3A_5 = arith.constant 0 : i32
    %scan3A_6 = arith.constant 20 : i32
    %scan3A_7 = arith.addi %scan3A_5, %scan3A_6 : i32
    %scan3A_8 = arith.constant 1 : i32
    scf.for %scan3A_17 = %scan3A_5 to %scan3A_7 step %scan3A_8  : i32 {
      %mul3A_18 = arith.constant 4 : i32
      %mul3A_19 = arith.muli %scan3A_17, %mul3A_18 : i32
      %add3A_20 = arith.addi %mul3A_4, %mul3A_19 : i32
      %mul3A_21 = arith.constant 128 : i32
      %mul3A_22 = arith.muli %add3A_20, %mul3A_21 : i32
      "tpu.region"() ({
        %run_scoped3A_51 = tpu.sem_alloc : memref<!tpu.dma_semaphore, #tpu.memory_space<semaphore_mem>>
        %dma_start3A_52 = tpu.memref_slice %arg3[%mul3A_22] : memref<327680xi32, #tpu.memory_space<hbm>> -> memref<512xi32, #tpu.memory_space<hbm>>
        %dma_start3A_53 = tpu.memref_slice %arg3[%mul3A_22] : memref<327680xi32, #tpu.memory_space<hbm>> -> memref<512xi32, #tpu.memory_space<hbm>>
        tpu.enqueue_dma source(%dma_start3A_53 : memref<512xi32, #tpu.memory_space<hbm>>) target(%arg12 : memref<512xi32, #tpu.memory_space<vmem>>) target_semaphore(%run_scoped3A_51 : memref<!tpu.dma_semaphore, #tpu.memory_space<semaphore_mem>>)
        %dma_wait3A_54 = tpu.memref_slice %arg3[%mul3A_22] : memref<327680xi32, #tpu.memory_space<hbm>> -> memref<512xi32, #tpu.memory_space<hbm>>
        %dma_wait3A_55 = tpu.memref_slice %arg3[%mul3A_22] : memref<327680xi32, #tpu.memory_space<hbm>> -> memref<512xi32, #tpu.memory_space<hbm>>
        tpu.wait_dma2 semaphore(%run_scoped3A_51 : memref<!tpu.dma_semaphore, #tpu.memory_space<semaphore_mem>>) src(%dma_wait3A_55 : memref<512xi32, #tpu.memory_space<hbm>>) dst(%arg12 : memref<512xi32, #tpu.memory_space<vmem>>)
        tpu.yield
      }) : () -> ()
      %mul3A_23 = arith.constant 4 : i32
      %mul3A_24 = arith.muli %scan3A_17, %mul3A_23 : i32
      %add3A_25 = arith.addi %mul3A_4, %mul3A_24 : i32
      "tpu.region"() ({
        %run_scoped3A_51 = tpu.sem_alloc : memref<!tpu.dma_semaphore, #tpu.memory_space<semaphore_mem>>
        %dma_start3A_52 = arith.constant 0 : i32
        %dma_start3A_53 = tpu.memref_slice %arg4[%add3A_25, %dma_start3A_52] : memref<2560x128xi32, #tpu.memory_space<hbm>> -> memref<4x128xi32, #tpu.memory_space<hbm>>
        %dma_start3A_54 = arith.constant 0 : i32
        %dma_start3A_55 = tpu.memref_slice %arg4[%add3A_25, %dma_start3A_54] : memref<2560x128xi32, #tpu.memory_space<hbm>> -> memref<4x128xi32, #tpu.memory_space<hbm>>
        tpu.enqueue_dma source(%dma_start3A_55 : memref<4x128xi32, #tpu.memory_space<hbm>>) target(%arg13 : memref<4x128xi32, #tpu.memory_space<vmem>>) target_semaphore(%run_scoped3A_51 : memref<!tpu.dma_semaphore, #tpu.memory_space<semaphore_mem>>)
        %dma_wait3A_56 = arith.constant 0 : i32
        %dma_wait3A_57 = tpu.memref_slice %arg4[%add3A_25, %dma_wait3A_56] : memref<2560x128xi32, #tpu.memory_space<hbm>> -> memref<4x128xi32, #tpu.memory_space<hbm>>
        %dma_wait3A_58 = arith.constant 0 : i32
        %dma_wait3A_59 = tpu.memref_slice %arg4[%add3A_25, %dma_wait3A_58] : memref<2560x128xi32, #tpu.memory_space<hbm>> -> memref<4x128xi32, #tpu.memory_space<hbm>>
        tpu.wait_dma2 semaphore(%run_scoped3A_51 : memref<!tpu.dma_semaphore, #tpu.memory_space<semaphore_mem>>) src(%dma_wait3A_59 : memref<4x128xi32, #tpu.memory_space<hbm>>) dst(%arg13 : memref<4x128xi32, #tpu.memory_space<vmem>>)
        tpu.yield
      }) : () -> ()
      %dma_start3A = arith.constant 0 : i32
      %dma_start3A_26 = tpu.memref_slice %arg12[%dma_start3A] : memref<512xi32, #tpu.memory_space<vmem>> -> memref<256xi32, #tpu.memory_space<vmem>>
      %dma_start3A_27 = arith.constant 0 : i32
      %dma_start3A_28 = arith.constant 0 : i32
      %dma_start3A_29 = tpu.memref_slice %arg11[%dma_start3A_27, %dma_start3A_28] : memref<10240x64xf32, #tpu.memory_space<vmem_shared>> -> memref<10240x64xf32, #tpu.memory_space<vmem_shared>>
      tpu.enqueue_indirect_dma source(%dma_start3A_29 : memref<10240x64xf32, #tpu.memory_space<vmem_shared>>) target(%arg14 : memref<256x64xf32, #tpu.memory_space<vmem>>) offsets(%dma_start3A_26 : memref<256xi32, #tpu.memory_space<vmem>>) semaphore(%arg16 : memref<!tpu.dma_semaphore, #tpu.memory_space<semaphore_mem>>)
      %dma_start3A_30 = arith.constant 256 : i32
      %dma_start3A_31 = tpu.memref_slice %arg12[%dma_start3A_30] : memref<512xi32, #tpu.memory_space<vmem>> -> memref<256xi32, #tpu.memory_space<vmem>>
      %dma_start3A_32 = arith.constant 0 : i32
      %dma_start3A_33 = arith.constant 0 : i32
      %dma_start3A_34 = tpu.memref_slice %arg11[%dma_start3A_32, %dma_start3A_33] : memref<10240x64xf32, #tpu.memory_space<vmem_shared>> -> memref<10240x64xf32, #tpu.memory_space<vmem_shared>>
      tpu.enqueue_indirect_dma source(%dma_start3A_34 : memref<10240x64xf32, #tpu.memory_space<vmem_shared>>) target(%arg15 : memref<256x64xf32, #tpu.memory_space<vmem>>) offsets(%dma_start3A_31 : memref<256xi32, #tpu.memory_space<vmem>>) semaphore(%arg17 : memref<!tpu.dma_semaphore, #tpu.memory_space<semaphore_mem>>)
      %dma_wait3A = arith.constant 0 : i32
      %dma_wait3A_35 = tpu.memref_slice %arg12[%dma_wait3A] : memref<512xi32, #tpu.memory_space<vmem>> -> memref<256xi32, #tpu.memory_space<vmem>>
      %dma_wait3A_36 = arith.constant 0 : i32
      %dma_wait3A_37 = arith.constant 0 : i32
      %dma_wait3A_38 = tpu.memref_slice %arg11[%dma_wait3A_36, %dma_wait3A_37] : memref<10240x64xf32, #tpu.memory_space<vmem_shared>> -> memref<10240x64xf32, #tpu.memory_space<vmem_shared>>
      tpu.wait_indirect_dma semaphore(%arg16 : memref<!tpu.dma_semaphore, #tpu.memory_space<semaphore_mem>>) src(%dma_wait3A_38 : memref<10240x64xf32, #tpu.memory_space<vmem_shared>>) dst(%arg14 : memref<256x64xf32, #tpu.memory_space<vmem>>)
      %run_scoped3A = arith.constant 0 : i32
      "tpu.region"() ({
        %run_scoped3A_51 = tpu.sem_alloc : memref<!tpu.dma_semaphore, #tpu.memory_space<semaphore_mem>>
        %dma_start3A_52 = arith.constant 0 : i32
        %dma_start3A_53 = arith.constant 0 : i32
        %dma_start3A_54 = tpu.memref_slice %arg14[%dma_start3A_52, %dma_start3A_53] : memref<256x64xf32, #tpu.memory_space<vmem>> -> memref<128x64xf32, #tpu.memory_space<vmem>>
        %dma_start3A_55 = arith.constant 0 : i32
        %dma_start3A_56 = tpu.memref_slice %arg13[%run_scoped3A, %dma_start3A_55] : memref<4x128xi32, #tpu.memory_space<vmem>> -> memref<1x128xi32, #tpu.memory_space<vmem>>
        %dma_start3A_57 = tpu.memref_squeeze %dma_start3A_56 : memref<1x128xi32, #tpu.memory_space<vmem>> -> memref<128xi32, #tpu.memory_space<vmem>>
        %dma_start3A_58 = arith.constant 0 : i32
        %dma_start3A_59 = arith.constant 0 : i32
        %dma_start3A_60 = tpu.memref_slice %arg10[%dma_start3A_58, %dma_start3A_59] : memref<10240x64xf32, #tpu.memory_space<vmem_shared>> -> memref<10240x64xf32, #tpu.memory_space<vmem_shared>>
        tpu.enqueue_indirect_dma source(%dma_start3A_54 : memref<128x64xf32, #tpu.memory_space<vmem>>) target(%dma_start3A_60 : memref<10240x64xf32, #tpu.memory_space<vmem_shared>>) offsets(%dma_start3A_57 : memref<128xi32, #tpu.memory_space<vmem>>) semaphore(%run_scoped3A_51 : memref<!tpu.dma_semaphore, #tpu.memory_space<semaphore_mem>>) {add = true}
        %dma_wait3A_61 = arith.constant 0 : i32
        %dma_wait3A_62 = arith.constant 0 : i32
        %dma_wait3A_63 = tpu.memref_slice %arg14[%dma_wait3A_61, %dma_wait3A_62] : memref<256x64xf32, #tpu.memory_space<vmem>> -> memref<128x64xf32, #tpu.memory_space<vmem>>
        %dma_wait3A_64 = arith.constant 0 : i32
        %dma_wait3A_65 = tpu.memref_slice %arg13[%run_scoped3A, %dma_wait3A_64] : memref<4x128xi32, #tpu.memory_space<vmem>> -> memref<1x128xi32, #tpu.memory_space<vmem>>
        %dma_wait3A_66 = tpu.memref_squeeze %dma_wait3A_65 : memref<1x128xi32, #tpu.memory_space<vmem>> -> memref<128xi32, #tpu.memory_space<vmem>>
        %dma_wait3A_67 = arith.constant 0 : i32
        %dma_wait3A_68 = arith.constant 0 : i32
        %dma_wait3A_69 = tpu.memref_slice %arg10[%dma_wait3A_67, %dma_wait3A_68] : memref<10240x64xf32, #tpu.memory_space<vmem_shared>> -> memref<10240x64xf32, #tpu.memory_space<vmem_shared>>
        tpu.wait_indirect_dma semaphore(%run_scoped3A_51 : memref<!tpu.dma_semaphore, #tpu.memory_space<semaphore_mem>>) src(%dma_wait3A_63 : memref<128x64xf32, #tpu.memory_space<vmem>>) dst(%dma_wait3A_69 : memref<10240x64xf32, #tpu.memory_space<vmem_shared>>)
        tpu.yield
      }) : () -> ()
      %run_scoped3A_39 = arith.constant 0 : i32
      "tpu.region"() ({
        %run_scoped3A_51 = tpu.sem_alloc : memref<!tpu.dma_semaphore, #tpu.memory_space<semaphore_mem>>
        %dma_start3A_52 = arith.constant 0 : i32
        %dma_start3A_53 = tpu.memref_slice %arg13[%run_scoped3A_39, %dma_start3A_52] : memref<4x128xi32, #tpu.memory_space<vmem>> -> memref<1x128xi32, #tpu.memory_space<vmem>>
        %dma_start3A_54 = tpu.memref_squeeze %dma_start3A_53 : memref<1x128xi32, #tpu.memory_space<vmem>> -> memref<128xi32, #tpu.memory_space<vmem>>
        %dma_start3A_55 = arith.constant 0 : i32
        %dma_start3A_56 = arith.constant 0 : i32
        %dma_start3A_57 = tpu.memref_slice %arg18[%dma_start3A_55, %dma_start3A_56] : memref<10240x8xf32, #tpu.memory_space<vmem_shared>> -> memref<10240x8xf32, #tpu.memory_space<vmem_shared>>
        tpu.enqueue_indirect_dma source(%arg19 : memref<128x8xf32, #tpu.memory_space<vmem>>) target(%dma_start3A_57 : memref<10240x8xf32, #tpu.memory_space<vmem_shared>>) offsets(%dma_start3A_54 : memref<128xi32, #tpu.memory_space<vmem>>) semaphore(%run_scoped3A_51 : memref<!tpu.dma_semaphore, #tpu.memory_space<semaphore_mem>>) {add = true}
        %dma_wait3A_58 = arith.constant 0 : i32
        %dma_wait3A_59 = tpu.memref_slice %arg13[%run_scoped3A_39, %dma_wait3A_58] : memref<4x128xi32, #tpu.memory_space<vmem>> -> memref<1x128xi32, #tpu.memory_space<vmem>>
        %dma_wait3A_60 = tpu.memref_squeeze %dma_wait3A_59 : memref<1x128xi32, #tpu.memory_space<vmem>> -> memref<128xi32, #tpu.memory_space<vmem>>
        %dma_wait3A_61 = arith.constant 0 : i32
        %dma_wait3A_62 = arith.constant 0 : i32
        %dma_wait3A_63 = tpu.memref_slice %arg18[%dma_wait3A_61, %dma_wait3A_62] : memref<10240x8xf32, #tpu.memory_space<vmem_shared>> -> memref<10240x8xf32, #tpu.memory_space<vmem_shared>>
        tpu.wait_indirect_dma semaphore(%run_scoped3A_51 : memref<!tpu.dma_semaphore, #tpu.memory_space<semaphore_mem>>) src(%arg19 : memref<128x8xf32, #tpu.memory_space<vmem>>) dst(%dma_wait3A_63 : memref<10240x8xf32, #tpu.memory_space<vmem_shared>>)
        tpu.yield
      }) : () -> ()
      %run_scoped3A_40 = arith.constant 1 : i32
      "tpu.region"() ({
        %run_scoped3A_51 = tpu.sem_alloc : memref<!tpu.dma_semaphore, #tpu.memory_space<semaphore_mem>>
        %dma_start3A_52 = arith.constant 128 : i32
        %dma_start3A_53 = arith.constant 0 : i32
        %dma_start3A_54 = tpu.memref_slice %arg14[%dma_start3A_52, %dma_start3A_53] : memref<256x64xf32, #tpu.memory_space<vmem>> -> memref<128x64xf32, #tpu.memory_space<vmem>>
        %dma_start3A_55 = arith.constant 0 : i32
        %dma_start3A_56 = tpu.memref_slice %arg13[%run_scoped3A_40, %dma_start3A_55] : memref<4x128xi32, #tpu.memory_space<vmem>> -> memref<1x128xi32, #tpu.memory_space<vmem>>
        %dma_start3A_57 = tpu.memref_squeeze %dma_start3A_56 : memref<1x128xi32, #tpu.memory_space<vmem>> -> memref<128xi32, #tpu.memory_space<vmem>>
        %dma_start3A_58 = arith.constant 0 : i32
        %dma_start3A_59 = arith.constant 0 : i32
        %dma_start3A_60 = tpu.memref_slice %arg10[%dma_start3A_58, %dma_start3A_59] : memref<10240x64xf32, #tpu.memory_space<vmem_shared>> -> memref<10240x64xf32, #tpu.memory_space<vmem_shared>>
        tpu.enqueue_indirect_dma source(%dma_start3A_54 : memref<128x64xf32, #tpu.memory_space<vmem>>) target(%dma_start3A_60 : memref<10240x64xf32, #tpu.memory_space<vmem_shared>>) offsets(%dma_start3A_57 : memref<128xi32, #tpu.memory_space<vmem>>) semaphore(%run_scoped3A_51 : memref<!tpu.dma_semaphore, #tpu.memory_space<semaphore_mem>>) {add = true}
        %dma_wait3A_61 = arith.constant 128 : i32
        %dma_wait3A_62 = arith.constant 0 : i32
        %dma_wait3A_63 = tpu.memref_slice %arg14[%dma_wait3A_61, %dma_wait3A_62] : memref<256x64xf32, #tpu.memory_space<vmem>> -> memref<128x64xf32, #tpu.memory_space<vmem>>
        %dma_wait3A_64 = arith.constant 0 : i32
        %dma_wait3A_65 = tpu.memref_slice %arg13[%run_scoped3A_40, %dma_wait3A_64] : memref<4x128xi32, #tpu.memory_space<vmem>> -> memref<1x128xi32, #tpu.memory_space<vmem>>
        %dma_wait3A_66 = tpu.memref_squeeze %dma_wait3A_65 : memref<1x128xi32, #tpu.memory_space<vmem>> -> memref<128xi32, #tpu.memory_space<vmem>>
        %dma_wait3A_67 = arith.constant 0 : i32
        %dma_wait3A_68 = arith.constant 0 : i32
        %dma_wait3A_69 = tpu.memref_slice %arg10[%dma_wait3A_67, %dma_wait3A_68] : memref<10240x64xf32, #tpu.memory_space<vmem_shared>> -> memref<10240x64xf32, #tpu.memory_space<vmem_shared>>
        tpu.wait_indirect_dma semaphore(%run_scoped3A_51 : memref<!tpu.dma_semaphore, #tpu.memory_space<semaphore_mem>>) src(%dma_wait3A_63 : memref<128x64xf32, #tpu.memory_space<vmem>>) dst(%dma_wait3A_69 : memref<10240x64xf32, #tpu.memory_space<vmem_shared>>)
        tpu.yield
      }) : () -> ()
      %run_scoped3A_41 = arith.constant 1 : i32
      "tpu.region"() ({
        %run_scoped3A_51 = tpu.sem_alloc : memref<!tpu.dma_semaphore, #tpu.memory_space<semaphore_mem>>
        %dma_start3A_52 = arith.constant 0 : i32
        %dma_start3A_53 = tpu.memref_slice %arg13[%run_scoped3A_41, %dma_start3A_52] : memref<4x128xi32, #tpu.memory_space<vmem>> -> memref<1x128xi32, #tpu.memory_space<vmem>>
        %dma_start3A_54 = tpu.memref_squeeze %dma_start3A_53 : memref<1x128xi32, #tpu.memory_space<vmem>> -> memref<128xi32, #tpu.memory_space<vmem>>
        %dma_start3A_55 = arith.constant 0 : i32
        %dma_start3A_56 = arith.constant 0 : i32
        %dma_start3A_57 = tpu.memref_slice %arg18[%dma_start3A_55, %dma_start3A_56] : memref<10240x8xf32, #tpu.memory_space<vmem_shared>> -> memref<10240x8xf32, #tpu.memory_space<vmem_shared>>
        tpu.enqueue_indirect_dma source(%arg19 : memref<128x8xf32, #tpu.memory_space<vmem>>) target(%dma_start3A_57 : memref<10240x8xf32, #tpu.memory_space<vmem_shared>>) offsets(%dma_start3A_54 : memref<128xi32, #tpu.memory_space<vmem>>) semaphore(%run_scoped3A_51 : memref<!tpu.dma_semaphore, #tpu.memory_space<semaphore_mem>>) {add = true}
        %dma_wait3A_58 = arith.constant 0 : i32
        %dma_wait3A_59 = tpu.memref_slice %arg13[%run_scoped3A_41, %dma_wait3A_58] : memref<4x128xi32, #tpu.memory_space<vmem>> -> memref<1x128xi32, #tpu.memory_space<vmem>>
        %dma_wait3A_60 = tpu.memref_squeeze %dma_wait3A_59 : memref<1x128xi32, #tpu.memory_space<vmem>> -> memref<128xi32, #tpu.memory_space<vmem>>
        %dma_wait3A_61 = arith.constant 0 : i32
        %dma_wait3A_62 = arith.constant 0 : i32
        %dma_wait3A_63 = tpu.memref_slice %arg18[%dma_wait3A_61, %dma_wait3A_62] : memref<10240x8xf32, #tpu.memory_space<vmem_shared>> -> memref<10240x8xf32, #tpu.memory_space<vmem_shared>>
        tpu.wait_indirect_dma semaphore(%run_scoped3A_51 : memref<!tpu.dma_semaphore, #tpu.memory_space<semaphore_mem>>) src(%arg19 : memref<128x8xf32, #tpu.memory_space<vmem>>) dst(%dma_wait3A_63 : memref<10240x8xf32, #tpu.memory_space<vmem_shared>>)
        tpu.yield
      }) : () -> ()
      %dma_wait3A_42 = arith.constant 256 : i32
      %dma_wait3A_43 = tpu.memref_slice %arg12[%dma_wait3A_42] : memref<512xi32, #tpu.memory_space<vmem>> -> memref<256xi32, #tpu.memory_space<vmem>>
      %dma_wait3A_44 = arith.constant 0 : i32
      %dma_wait3A_45 = arith.constant 0 : i32
      %dma_wait3A_46 = tpu.memref_slice %arg11[%dma_wait3A_44, %dma_wait3A_45] : memref<10240x64xf32, #tpu.memory_space<vmem_shared>> -> memref<10240x64xf32, #tpu.memory_space<vmem_shared>>
      tpu.wait_indirect_dma semaphore(%arg17 : memref<!tpu.dma_semaphore, #tpu.memory_space<semaphore_mem>>) src(%dma_wait3A_46 : memref<10240x64xf32, #tpu.memory_space<vmem_shared>>) dst(%arg15 : memref<256x64xf32, #tpu.memory_space<vmem>>)
      %run_scoped3A_47 = arith.constant 2 : i32
      "tpu.region"() ({
        %run_scoped3A_51 = tpu.sem_alloc : memref<!tpu.dma_semaphore, #tpu.memory_space<semaphore_mem>>
        %dma_start3A_52 = arith.constant 0 : i32
        %dma_start3A_53 = arith.constant 0 : i32
        %dma_start3A_54 = tpu.memref_slice %arg15[%dma_start3A_52, %dma_start3A_53] : memref<256x64xf32, #tpu.memory_space<vmem>> -> memref<128x64xf32, #tpu.memory_space<vmem>>
        %dma_start3A_55 = arith.constant 0 : i32
        %dma_start3A_56 = tpu.memref_slice %arg13[%run_scoped3A_47, %dma_start3A_55] : memref<4x128xi32, #tpu.memory_space<vmem>> -> memref<1x128xi32, #tpu.memory_space<vmem>>
        %dma_start3A_57 = tpu.memref_squeeze %dma_start3A_56 : memref<1x128xi32, #tpu.memory_space<vmem>> -> memref<128xi32, #tpu.memory_space<vmem>>
        %dma_start3A_58 = arith.constant 0 : i32
        %dma_start3A_59 = arith.constant 0 : i32
        %dma_start3A_60 = tpu.memref_slice %arg10[%dma_start3A_58, %dma_start3A_59] : memref<10240x64xf32, #tpu.memory_space<vmem_shared>> -> memref<10240x64xf32, #tpu.memory_space<vmem_shared>>
        tpu.enqueue_indirect_dma source(%dma_start3A_54 : memref<128x64xf32, #tpu.memory_space<vmem>>) target(%dma_start3A_60 : memref<10240x64xf32, #tpu.memory_space<vmem_shared>>) offsets(%dma_start3A_57 : memref<128xi32, #tpu.memory_space<vmem>>) semaphore(%run_scoped3A_51 : memref<!tpu.dma_semaphore, #tpu.memory_space<semaphore_mem>>) {add = true}
        %dma_wait3A_61 = arith.constant 0 : i32
        %dma_wait3A_62 = arith.constant 0 : i32
        %dma_wait3A_63 = tpu.memref_slice %arg15[%dma_wait3A_61, %dma_wait3A_62] : memref<256x64xf32, #tpu.memory_space<vmem>> -> memref<128x64xf32, #tpu.memory_space<vmem>>
        %dma_wait3A_64 = arith.constant 0 : i32
        %dma_wait3A_65 = tpu.memref_slice %arg13[%run_scoped3A_47, %dma_wait3A_64] : memref<4x128xi32, #tpu.memory_space<vmem>> -> memref<1x128xi32, #tpu.memory_space<vmem>>
        %dma_wait3A_66 = tpu.memref_squeeze %dma_wait3A_65 : memref<1x128xi32, #tpu.memory_space<vmem>> -> memref<128xi32, #tpu.memory_space<vmem>>
        %dma_wait3A_67 = arith.constant 0 : i32
        %dma_wait3A_68 = arith.constant 0 : i32
        %dma_wait3A_69 = tpu.memref_slice %arg10[%dma_wait3A_67, %dma_wait3A_68] : memref<10240x64xf32, #tpu.memory_space<vmem_shared>> -> memref<10240x64xf32, #tpu.memory_space<vmem_shared>>
        tpu.wait_indirect_dma semaphore(%run_scoped3A_51 : memref<!tpu.dma_semaphore, #tpu.memory_space<semaphore_mem>>) src(%dma_wait3A_63 : memref<128x64xf32, #tpu.memory_space<vmem>>) dst(%dma_wait3A_69 : memref<10240x64xf32, #tpu.memory_space<vmem_shared>>)
        tpu.yield
      }) : () -> ()
      %run_scoped3A_48 = arith.constant 2 : i32
      "tpu.region"() ({
        %run_scoped3A_51 = tpu.sem_alloc : memref<!tpu.dma_semaphore, #tpu.memory_space<semaphore_mem>>
        %dma_start3A_52 = arith.constant 0 : i32
        %dma_start3A_53 = tpu.memref_slice %arg13[%run_scoped3A_48, %dma_start3A_52] : memref<4x128xi32, #tpu.memory_space<vmem>> -> memref<1x128xi32, #tpu.memory_space<vmem>>
        %dma_start3A_54 = tpu.memref_squeeze %dma_start3A_53 : memref<1x128xi32, #tpu.memory_space<vmem>> -> memref<128xi32, #tpu.memory_space<vmem>>
        %dma_start3A_55 = arith.constant 0 : i32
        %dma_start3A_56 = arith.constant 0 : i32
        %dma_start3A_57 = tpu.memref_slice %arg18[%dma_start3A_55, %dma_start3A_56] : memref<10240x8xf32, #tpu.memory_space<vmem_shared>> -> memref<10240x8xf32, #tpu.memory_space<vmem_shared>>
        tpu.enqueue_indirect_dma source(%arg19 : memref<128x8xf32, #tpu.memory_space<vmem>>) target(%dma_start3A_57 : memref<10240x8xf32, #tpu.memory_space<vmem_shared>>) offsets(%dma_start3A_54 : memref<128xi32, #tpu.memory_space<vmem>>) semaphore(%run_scoped3A_51 : memref<!tpu.dma_semaphore, #tpu.memory_space<semaphore_mem>>) {add = true}
        %dma_wait3A_58 = arith.constant 0 : i32
        %dma_wait3A_59 = tpu.memref_slice %arg13[%run_scoped3A_48, %dma_wait3A_58] : memref<4x128xi32, #tpu.memory_space<vmem>> -> memref<1x128xi32, #tpu.memory_space<vmem>>
        %dma_wait3A_60 = tpu.memref_squeeze %dma_wait3A_59 : memref<1x128xi32, #tpu.memory_space<vmem>> -> memref<128xi32, #tpu.memory_space<vmem>>
        %dma_wait3A_61 = arith.constant 0 : i32
        %dma_wait3A_62 = arith.constant 0 : i32
        %dma_wait3A_63 = tpu.memref_slice %arg18[%dma_wait3A_61, %dma_wait3A_62] : memref<10240x8xf32, #tpu.memory_space<vmem_shared>> -> memref<10240x8xf32, #tpu.memory_space<vmem_shared>>
        tpu.wait_indirect_dma semaphore(%run_scoped3A_51 : memref<!tpu.dma_semaphore, #tpu.memory_space<semaphore_mem>>) src(%arg19 : memref<128x8xf32, #tpu.memory_space<vmem>>) dst(%dma_wait3A_63 : memref<10240x8xf32, #tpu.memory_space<vmem_shared>>)
        tpu.yield
      }) : () -> ()
      %run_scoped3A_49 = arith.constant 3 : i32
      "tpu.region"() ({
        %run_scoped3A_51 = tpu.sem_alloc : memref<!tpu.dma_semaphore, #tpu.memory_space<semaphore_mem>>
        %dma_start3A_52 = arith.constant 128 : i32
        %dma_start3A_53 = arith.constant 0 : i32
        %dma_start3A_54 = tpu.memref_slice %arg15[%dma_start3A_52, %dma_start3A_53] : memref<256x64xf32, #tpu.memory_space<vmem>> -> memref<128x64xf32, #tpu.memory_space<vmem>>
        %dma_start3A_55 = arith.constant 0 : i32
        %dma_start3A_56 = tpu.memref_slice %arg13[%run_scoped3A_49, %dma_start3A_55] : memref<4x128xi32, #tpu.memory_space<vmem>> -> memref<1x128xi32, #tpu.memory_space<vmem>>
        %dma_start3A_57 = tpu.memref_squeeze %dma_start3A_56 : memref<1x128xi32, #tpu.memory_space<vmem>> -> memref<128xi32, #tpu.memory_space<vmem>>
        %dma_start3A_58 = arith.constant 0 : i32
        %dma_start3A_59 = arith.constant 0 : i32
        %dma_start3A_60 = tpu.memref_slice %arg10[%dma_start3A_58, %dma_start3A_59] : memref<10240x64xf32, #tpu.memory_space<vmem_shared>> -> memref<10240x64xf32, #tpu.memory_space<vmem_shared>>
        tpu.enqueue_indirect_dma source(%dma_start3A_54 : memref<128x64xf32, #tpu.memory_space<vmem>>) target(%dma_start3A_60 : memref<10240x64xf32, #tpu.memory_space<vmem_shared>>) offsets(%dma_start3A_57 : memref<128xi32, #tpu.memory_space<vmem>>) semaphore(%run_scoped3A_51 : memref<!tpu.dma_semaphore, #tpu.memory_space<semaphore_mem>>) {add = true}
        %dma_wait3A_61 = arith.constant 128 : i32
        %dma_wait3A_62 = arith.constant 0 : i32
        %dma_wait3A_63 = tpu.memref_slice %arg15[%dma_wait3A_61, %dma_wait3A_62] : memref<256x64xf32, #tpu.memory_space<vmem>> -> memref<128x64xf32, #tpu.memory_space<vmem>>
        %dma_wait3A_64 = arith.constant 0 : i32
        %dma_wait3A_65 = tpu.memref_slice %arg13[%run_scoped3A_49, %dma_wait3A_64] : memref<4x128xi32, #tpu.memory_space<vmem>> -> memref<1x128xi32, #tpu.memory_space<vmem>>
        %dma_wait3A_66 = tpu.memref_squeeze %dma_wait3A_65 : memref<1x128xi32, #tpu.memory_space<vmem>> -> memref<128xi32, #tpu.memory_space<vmem>>
        %dma_wait3A_67 = arith.constant 0 : i32
        %dma_wait3A_68 = arith.constant 0 : i32
        %dma_wait3A_69 = tpu.memref_slice %arg10[%dma_wait3A_67, %dma_wait3A_68] : memref<10240x64xf32, #tpu.memory_space<vmem_shared>> -> memref<10240x64xf32, #tpu.memory_space<vmem_shared>>
        tpu.wait_indirect_dma semaphore(%run_scoped3A_51 : memref<!tpu.dma_semaphore, #tpu.memory_space<semaphore_mem>>) src(%dma_wait3A_63 : memref<128x64xf32, #tpu.memory_space<vmem>>) dst(%dma_wait3A_69 : memref<10240x64xf32, #tpu.memory_space<vmem_shared>>)
        tpu.yield
      }) : () -> ()
      %run_scoped3A_50 = arith.constant 3 : i32
      "tpu.region"() ({
        %run_scoped3A_51 = tpu.sem_alloc : memref<!tpu.dma_semaphore, #tpu.memory_space<semaphore_mem>>
        %dma_start3A_52 = arith.constant 0 : i32
        %dma_start3A_53 = tpu.memref_slice %arg13[%run_scoped3A_50, %dma_start3A_52] : memref<4x128xi32, #tpu.memory_space<vmem>> -> memref<1x128xi32, #tpu.memory_space<vmem>>
        %dma_start3A_54 = tpu.memref_squeeze %dma_start3A_53 : memref<1x128xi32, #tpu.memory_space<vmem>> -> memref<128xi32, #tpu.memory_space<vmem>>
        %dma_start3A_55 = arith.constant 0 : i32
        %dma_start3A_56 = arith.constant 0 : i32
        %dma_start3A_57 = tpu.memref_slice %arg18[%dma_start3A_55, %dma_start3A_56] : memref<10240x8xf32, #tpu.memory_space<vmem_shared>> -> memref<10240x8xf32, #tpu.memory_space<vmem_shared>>
        tpu.enqueue_indirect_dma source(%arg19 : memref<128x8xf32, #tpu.memory_space<vmem>>) target(%dma_start3A_57 : memref<10240x8xf32, #tpu.memory_space<vmem_shared>>) offsets(%dma_start3A_54 : memref<128xi32, #tpu.memory_space<vmem>>) semaphore(%run_scoped3A_51 : memref<!tpu.dma_semaphore, #tpu.memory_space<semaphore_mem>>) {add = true}
        %dma_wait3A_58 = arith.constant 0 : i32
        %dma_wait3A_59 = tpu.memref_slice %arg13[%run_scoped3A_50, %dma_wait3A_58] : memref<4x128xi32, #tpu.memory_space<vmem>> -> memref<1x128xi32, #tpu.memory_space<vmem>>
        %dma_wait3A_60 = tpu.memref_squeeze %dma_wait3A_59 : memref<1x128xi32, #tpu.memory_space<vmem>> -> memref<128xi32, #tpu.memory_space<vmem>>
        %dma_wait3A_61 = arith.constant 0 : i32
        %dma_wait3A_62 = arith.constant 0 : i32
        %dma_wait3A_63 = tpu.memref_slice %arg18[%dma_wait3A_61, %dma_wait3A_62] : memref<10240x8xf32, #tpu.memory_space<vmem_shared>> -> memref<10240x8xf32, #tpu.memory_space<vmem_shared>>
        tpu.wait_indirect_dma semaphore(%run_scoped3A_51 : memref<!tpu.dma_semaphore, #tpu.memory_space<semaphore_mem>>) src(%arg19 : memref<128x8xf32, #tpu.memory_space<vmem>>) dst(%dma_wait3A_63 : memref<10240x8xf32, #tpu.memory_space<vmem_shared>>)
        tpu.yield
      }) : () -> ()
    }
    %scan3A_9 = arith.constant 20 : i32
    %barrier3A_10 = arith.constant 0 : index
    tpu.barrier barrier_id(%barrier3A_10)
    %mul3A_11 = arith.constant 10240 : i32
    %mul3A_12 = arith.muli %arg0, %mul3A_11 : i32
    %add3A_13 = arith.addi %mul3A_12, %mul3A_2 : i32
    "tpu.region"() ({
      %run_scoped3A = tpu.sem_alloc : memref<!tpu.dma_semaphore, #tpu.memory_space<semaphore_mem>>
      %dma_start3A = arith.constant 0 : i32
      %dma_start3A_17 = tpu.memref_slice %arg8[%add3A_13, %dma_start3A] : memref<20480x64xf32, #tpu.memory_space<hbm>> -> memref<640x64xf32, #tpu.memory_space<hbm>>
      %dma_start3A_18 = arith.constant 0 : i32
      %dma_start3A_19 = tpu.memref_slice %arg10[%mul3A_2, %dma_start3A_18] : memref<10240x64xf32, #tpu.memory_space<vmem_shared>> -> memref<640x64xf32, #tpu.memory_space<vmem_shared>>
      tpu.enqueue_dma source(%dma_start3A_19 : memref<640x64xf32, #tpu.memory_space<vmem_shared>>) target(%dma_start3A_17 : memref<640x64xf32, #tpu.memory_space<hbm>>) target_semaphore(%run_scoped3A : memref<!tpu.dma_semaphore, #tpu.memory_space<semaphore_mem>>)
      %dma_wait3A = arith.constant 0 : i32
      %dma_wait3A_20 = tpu.memref_slice %arg8[%add3A_13, %dma_wait3A] : memref<20480x64xf32, #tpu.memory_space<hbm>> -> memref<640x64xf32, #tpu.memory_space<hbm>>
      %dma_wait3A_21 = arith.constant 0 : i32
      %dma_wait3A_22 = tpu.memref_slice %arg10[%mul3A_2, %dma_wait3A_21] : memref<10240x64xf32, #tpu.memory_space<vmem_shared>> -> memref<640x64xf32, #tpu.memory_space<vmem_shared>>
      tpu.wait_dma2 semaphore(%run_scoped3A : memref<!tpu.dma_semaphore, #tpu.memory_space<semaphore_mem>>) src(%dma_wait3A_22 : memref<640x64xf32, #tpu.memory_space<vmem_shared>>) dst(%dma_wait3A_20 : memref<640x64xf32, #tpu.memory_space<hbm>>)
      tpu.yield
    }) : () -> ()
    %mul3A_14 = arith.constant 10240 : i32
    %mul3A_15 = arith.muli %arg0, %mul3A_14 : i32
    %add3A_16 = arith.addi %mul3A_15, %mul3A_2 : i32
    "tpu.region"() ({
      %run_scoped3A = tpu.sem_alloc : memref<!tpu.dma_semaphore, #tpu.memory_space<semaphore_mem>>
      %dma_start3A = arith.constant 0 : i32
      %dma_start3A_17 = tpu.memref_slice %arg9[%add3A_16, %dma_start3A] : memref<20480x8xf32, #tpu.memory_space<hbm>> -> memref<640x8xf32, #tpu.memory_space<hbm>>
      %dma_start3A_18 = arith.constant 0 : i32
      %dma_start3A_19 = tpu.memref_slice %arg18[%mul3A_2, %dma_start3A_18] : memref<10240x8xf32, #tpu.memory_space<vmem_shared>> -> memref<640x8xf32, #tpu.memory_space<vmem_shared>>
      tpu.enqueue_dma source(%dma_start3A_19 : memref<640x8xf32, #tpu.memory_space<vmem_shared>>) target(%dma_start3A_17 : memref<640x8xf32, #tpu.memory_space<hbm>>) target_semaphore(%run_scoped3A : memref<!tpu.dma_semaphore, #tpu.memory_space<semaphore_mem>>)
      %dma_wait3A = arith.constant 0 : i32
      %dma_wait3A_20 = tpu.memref_slice %arg9[%add3A_16, %dma_wait3A] : memref<20480x8xf32, #tpu.memory_space<hbm>> -> memref<640x8xf32, #tpu.memory_space<hbm>>
      %dma_wait3A_21 = arith.constant 0 : i32
      %dma_wait3A_22 = tpu.memref_slice %arg18[%mul3A_2, %dma_wait3A_21] : memref<10240x8xf32, #tpu.memory_space<vmem_shared>> -> memref<640x8xf32, #tpu.memory_space<vmem_shared>>
      tpu.wait_dma2 semaphore(%run_scoped3A : memref<!tpu.dma_semaphore, #tpu.memory_space<semaphore_mem>>) src(%dma_wait3A_22 : memref<640x8xf32, #tpu.memory_space<vmem_shared>>) dst(%dma_wait3A_20 : memref<640x8xf32, #tpu.memory_space<hbm>>)
      tpu.yield
    }) : () -> ()
    return
  }
}

#map = affine_map<(d0, d1) -> (0, 0)>
#map1 = affine_map<(d0, d1) -> (0)>
module attributes {stable_mosaic.version = 14 : i64} {
  func.func @body(%arg0: i32, %arg1: i32, %arg2: memref<10240x64xf32, #tpu.memory_space<hbm>>, %arg3: memref<327680xi32, #tpu.memory_space<hbm>>, %arg4: memref<2560x128xi32, #tpu.memory_space<hbm>>, %arg5: memref<10240x64xf32, #tpu.memory_space<hbm>>, %arg6: memref<20480x64xf32, #tpu.memory_space<hbm>>, %arg7: memref<10240x64xf32, #tpu.memory_space<vmem_shared>>, %arg8: memref<10240x64xf32, #tpu.memory_space<vmem_shared>>, %arg9: memref<512xi32, #tpu.memory_space<vmem>>, %arg10: memref<4x128xi32, #tpu.memory_space<vmem>>, %arg11: memref<256x64xf32, #tpu.memory_space<vmem>>, %arg12: memref<256x64xf32, #tpu.memory_space<vmem>>, %arg13: memref<!tpu.dma_semaphore, #tpu.memory_space<semaphore_mem>>, %arg14: memref<!tpu.dma_semaphore, #tpu.memory_space<semaphore_mem>>) attributes {dimension_semantics = [#tpu.dimension_semantics<core_parallel>, #tpu.dimension_semantics<subcore_parallel>], iteration_bounds = array<i64: 2, 16>, scalar_prefetch = 0 : i64, scratch_operands = 8 : i64, tpu.core_type = #tpu.core_type<sc_vector_subcore>, window_params = [{transform_indices = #map}, {transform_indices = #map1}, {transform_indices = #map}, {transform_indices = #map}, {transform_indices = #map}]} {
    %mul3A = arith.constant 2 : i32
    %mul3A_0 = arith.muli %arg1, %mul3A : i32
    %add3A = arith.addi %mul3A_0, %arg0 : i32
    %mul3A_1 = arith.constant 640 : i32
    %mul3A_2 = arith.muli %arg1, %mul3A_1 : i32
    "tpu.region"() ({
      %run_scoped3A = tpu.sem_alloc : memref<!tpu.dma_semaphore, #tpu.memory_space<semaphore_mem>>
      %dma_start3A = arith.constant 0 : i32
      %dma_start3A_14 = tpu.memref_slice %arg7[%mul3A_2, %dma_start3A] : memref<10240x64xf32, #tpu.memory_space<vmem_shared>> -> memref<640x64xf32, #tpu.memory_space<vmem_shared>>
      %dma_start3A_15 = arith.constant 0 : i32
      %dma_start3A_16 = tpu.memref_slice %arg5[%mul3A_2, %dma_start3A_15] : memref<10240x64xf32, #tpu.memory_space<hbm>> -> memref<640x64xf32, #tpu.memory_space<hbm>>
      tpu.enqueue_dma source(%dma_start3A_16 : memref<640x64xf32, #tpu.memory_space<hbm>>) target(%dma_start3A_14 : memref<640x64xf32, #tpu.memory_space<vmem_shared>>) target_semaphore(%run_scoped3A : memref<!tpu.dma_semaphore, #tpu.memory_space<semaphore_mem>>)
      %dma_wait3A = arith.constant 0 : i32
      %dma_wait3A_17 = tpu.memref_slice %arg7[%mul3A_2, %dma_wait3A] : memref<10240x64xf32, #tpu.memory_space<vmem_shared>> -> memref<640x64xf32, #tpu.memory_space<vmem_shared>>
      %dma_wait3A_18 = arith.constant 0 : i32
      %dma_wait3A_19 = tpu.memref_slice %arg5[%mul3A_2, %dma_wait3A_18] : memref<10240x64xf32, #tpu.memory_space<hbm>> -> memref<640x64xf32, #tpu.memory_space<hbm>>
      tpu.wait_dma2 semaphore(%run_scoped3A : memref<!tpu.dma_semaphore, #tpu.memory_space<semaphore_mem>>) src(%dma_wait3A_19 : memref<640x64xf32, #tpu.memory_space<hbm>>) dst(%dma_wait3A_17 : memref<640x64xf32, #tpu.memory_space<vmem_shared>>)
      tpu.yield
    }) : () -> ()
    "tpu.region"() ({
      %run_scoped3A = tpu.sem_alloc : memref<!tpu.dma_semaphore, #tpu.memory_space<semaphore_mem>>
      %dma_start3A = arith.constant 0 : i32
      %dma_start3A_14 = tpu.memref_slice %arg8[%mul3A_2, %dma_start3A] : memref<10240x64xf32, #tpu.memory_space<vmem_shared>> -> memref<640x64xf32, #tpu.memory_space<vmem_shared>>
      %dma_start3A_15 = arith.constant 0 : i32
      %dma_start3A_16 = tpu.memref_slice %arg2[%mul3A_2, %dma_start3A_15] : memref<10240x64xf32, #tpu.memory_space<hbm>> -> memref<640x64xf32, #tpu.memory_space<hbm>>
      tpu.enqueue_dma source(%dma_start3A_16 : memref<640x64xf32, #tpu.memory_space<hbm>>) target(%dma_start3A_14 : memref<640x64xf32, #tpu.memory_space<vmem_shared>>) target_semaphore(%run_scoped3A : memref<!tpu.dma_semaphore, #tpu.memory_space<semaphore_mem>>)
      %dma_wait3A = arith.constant 0 : i32
      %dma_wait3A_17 = tpu.memref_slice %arg8[%mul3A_2, %dma_wait3A] : memref<10240x64xf32, #tpu.memory_space<vmem_shared>> -> memref<640x64xf32, #tpu.memory_space<vmem_shared>>
      %dma_wait3A_18 = arith.constant 0 : i32
      %dma_wait3A_19 = tpu.memref_slice %arg2[%mul3A_2, %dma_wait3A_18] : memref<10240x64xf32, #tpu.memory_space<hbm>> -> memref<640x64xf32, #tpu.memory_space<hbm>>
      tpu.wait_dma2 semaphore(%run_scoped3A : memref<!tpu.dma_semaphore, #tpu.memory_space<semaphore_mem>>) src(%dma_wait3A_19 : memref<640x64xf32, #tpu.memory_space<hbm>>) dst(%dma_wait3A_17 : memref<640x64xf32, #tpu.memory_space<vmem_shared>>)
      tpu.yield
    }) : () -> ()
    %barrier3A = arith.constant 0 : index
    tpu.barrier barrier_id(%barrier3A)
    %mul3A_3 = arith.constant 80 : i32
    %mul3A_4 = arith.muli %add3A, %mul3A_3 : i32
    %scan3A = arith.constant 0 : i32
    %scan3A_5 = arith.constant 0 : i32
    %scan3A_6 = arith.constant 20 : i32
    %scan3A_7 = arith.addi %scan3A_5, %scan3A_6 : i32
    %scan3A_8 = arith.constant 1 : i32
    scf.for %scan3A_14 = %scan3A_5 to %scan3A_7 step %scan3A_8  : i32 {
      %mul3A_15 = arith.constant 4 : i32
      %mul3A_16 = arith.muli %scan3A_14, %mul3A_15 : i32
      %add3A_17 = arith.addi %mul3A_4, %mul3A_16 : i32
      %mul3A_18 = arith.constant 128 : i32
      %mul3A_19 = arith.muli %add3A_17, %mul3A_18 : i32
      "tpu.region"() ({
        %run_scoped3A_44 = tpu.sem_alloc : memref<!tpu.dma_semaphore, #tpu.memory_space<semaphore_mem>>
        %dma_start3A_45 = tpu.memref_slice %arg3[%mul3A_19] : memref<327680xi32, #tpu.memory_space<hbm>> -> memref<512xi32, #tpu.memory_space<hbm>>
        %dma_start3A_46 = tpu.memref_slice %arg3[%mul3A_19] : memref<327680xi32, #tpu.memory_space<hbm>> -> memref<512xi32, #tpu.memory_space<hbm>>
        tpu.enqueue_dma source(%dma_start3A_46 : memref<512xi32, #tpu.memory_space<hbm>>) target(%arg9 : memref<512xi32, #tpu.memory_space<vmem>>) target_semaphore(%run_scoped3A_44 : memref<!tpu.dma_semaphore, #tpu.memory_space<semaphore_mem>>)
        %dma_wait3A_47 = tpu.memref_slice %arg3[%mul3A_19] : memref<327680xi32, #tpu.memory_space<hbm>> -> memref<512xi32, #tpu.memory_space<hbm>>
        %dma_wait3A_48 = tpu.memref_slice %arg3[%mul3A_19] : memref<327680xi32, #tpu.memory_space<hbm>> -> memref<512xi32, #tpu.memory_space<hbm>>
        tpu.wait_dma2 semaphore(%run_scoped3A_44 : memref<!tpu.dma_semaphore, #tpu.memory_space<semaphore_mem>>) src(%dma_wait3A_48 : memref<512xi32, #tpu.memory_space<hbm>>) dst(%arg9 : memref<512xi32, #tpu.memory_space<vmem>>)
        tpu.yield
      }) : () -> ()
      %mul3A_20 = arith.constant 4 : i32
      %mul3A_21 = arith.muli %scan3A_14, %mul3A_20 : i32
      %add3A_22 = arith.addi %mul3A_4, %mul3A_21 : i32
      "tpu.region"() ({
        %run_scoped3A_44 = tpu.sem_alloc : memref<!tpu.dma_semaphore, #tpu.memory_space<semaphore_mem>>
        %dma_start3A_45 = arith.constant 0 : i32
        %dma_start3A_46 = tpu.memref_slice %arg4[%add3A_22, %dma_start3A_45] : memref<2560x128xi32, #tpu.memory_space<hbm>> -> memref<4x128xi32, #tpu.memory_space<hbm>>
        %dma_start3A_47 = arith.constant 0 : i32
        %dma_start3A_48 = tpu.memref_slice %arg4[%add3A_22, %dma_start3A_47] : memref<2560x128xi32, #tpu.memory_space<hbm>> -> memref<4x128xi32, #tpu.memory_space<hbm>>
        tpu.enqueue_dma source(%dma_start3A_48 : memref<4x128xi32, #tpu.memory_space<hbm>>) target(%arg10 : memref<4x128xi32, #tpu.memory_space<vmem>>) target_semaphore(%run_scoped3A_44 : memref<!tpu.dma_semaphore, #tpu.memory_space<semaphore_mem>>)
        %dma_wait3A_49 = arith.constant 0 : i32
        %dma_wait3A_50 = tpu.memref_slice %arg4[%add3A_22, %dma_wait3A_49] : memref<2560x128xi32, #tpu.memory_space<hbm>> -> memref<4x128xi32, #tpu.memory_space<hbm>>
        %dma_wait3A_51 = arith.constant 0 : i32
        %dma_wait3A_52 = tpu.memref_slice %arg4[%add3A_22, %dma_wait3A_51] : memref<2560x128xi32, #tpu.memory_space<hbm>> -> memref<4x128xi32, #tpu.memory_space<hbm>>
        tpu.wait_dma2 semaphore(%run_scoped3A_44 : memref<!tpu.dma_semaphore, #tpu.memory_space<semaphore_mem>>) src(%dma_wait3A_52 : memref<4x128xi32, #tpu.memory_space<hbm>>) dst(%arg10 : memref<4x128xi32, #tpu.memory_space<vmem>>)
        tpu.yield
      }) : () -> ()
      %dma_start3A = arith.constant 0 : i32
      %dma_start3A_23 = tpu.memref_slice %arg9[%dma_start3A] : memref<512xi32, #tpu.memory_space<vmem>> -> memref<256xi32, #tpu.memory_space<vmem>>
      %dma_start3A_24 = arith.constant 0 : i32
      %dma_start3A_25 = arith.constant 0 : i32
      %dma_start3A_26 = tpu.memref_slice %arg8[%dma_start3A_24, %dma_start3A_25] : memref<10240x64xf32, #tpu.memory_space<vmem_shared>> -> memref<10240x64xf32, #tpu.memory_space<vmem_shared>>
      tpu.enqueue_indirect_dma source(%dma_start3A_26 : memref<10240x64xf32, #tpu.memory_space<vmem_shared>>) target(%arg11 : memref<256x64xf32, #tpu.memory_space<vmem>>) offsets(%dma_start3A_23 : memref<256xi32, #tpu.memory_space<vmem>>) semaphore(%arg13 : memref<!tpu.dma_semaphore, #tpu.memory_space<semaphore_mem>>)
      %dma_start3A_27 = arith.constant 256 : i32
      %dma_start3A_28 = tpu.memref_slice %arg9[%dma_start3A_27] : memref<512xi32, #tpu.memory_space<vmem>> -> memref<256xi32, #tpu.memory_space<vmem>>
      %dma_start3A_29 = arith.constant 0 : i32
      %dma_start3A_30 = arith.constant 0 : i32
      %dma_start3A_31 = tpu.memref_slice %arg8[%dma_start3A_29, %dma_start3A_30] : memref<10240x64xf32, #tpu.memory_space<vmem_shared>> -> memref<10240x64xf32, #tpu.memory_space<vmem_shared>>
      tpu.enqueue_indirect_dma source(%dma_start3A_31 : memref<10240x64xf32, #tpu.memory_space<vmem_shared>>) target(%arg12 : memref<256x64xf32, #tpu.memory_space<vmem>>) offsets(%dma_start3A_28 : memref<256xi32, #tpu.memory_space<vmem>>) semaphore(%arg14 : memref<!tpu.dma_semaphore, #tpu.memory_space<semaphore_mem>>)
      %dma_wait3A = arith.constant 0 : i32
      %dma_wait3A_32 = tpu.memref_slice %arg9[%dma_wait3A] : memref<512xi32, #tpu.memory_space<vmem>> -> memref<256xi32, #tpu.memory_space<vmem>>
      %dma_wait3A_33 = arith.constant 0 : i32
      %dma_wait3A_34 = arith.constant 0 : i32
      %dma_wait3A_35 = tpu.memref_slice %arg8[%dma_wait3A_33, %dma_wait3A_34] : memref<10240x64xf32, #tpu.memory_space<vmem_shared>> -> memref<10240x64xf32, #tpu.memory_space<vmem_shared>>
      tpu.wait_indirect_dma semaphore(%arg13 : memref<!tpu.dma_semaphore, #tpu.memory_space<semaphore_mem>>) src(%dma_wait3A_35 : memref<10240x64xf32, #tpu.memory_space<vmem_shared>>) dst(%arg11 : memref<256x64xf32, #tpu.memory_space<vmem>>)
      %run_scoped3A = arith.constant 0 : i32
      "tpu.region"() ({
        %run_scoped3A_44 = tpu.sem_alloc : memref<!tpu.dma_semaphore, #tpu.memory_space<semaphore_mem>>
        %dma_start3A_45 = arith.constant 0 : i32
        %dma_start3A_46 = arith.constant 0 : i32
        %dma_start3A_47 = tpu.memref_slice %arg11[%dma_start3A_45, %dma_start3A_46] : memref<256x64xf32, #tpu.memory_space<vmem>> -> memref<128x64xf32, #tpu.memory_space<vmem>>
        %dma_start3A_48 = arith.constant 0 : i32
        %dma_start3A_49 = tpu.memref_slice %arg10[%run_scoped3A, %dma_start3A_48] : memref<4x128xi32, #tpu.memory_space<vmem>> -> memref<1x128xi32, #tpu.memory_space<vmem>>
        %dma_start3A_50 = tpu.memref_squeeze %dma_start3A_49 : memref<1x128xi32, #tpu.memory_space<vmem>> -> memref<128xi32, #tpu.memory_space<vmem>>
        %dma_start3A_51 = arith.constant 0 : i32
        %dma_start3A_52 = arith.constant 0 : i32
        %dma_start3A_53 = tpu.memref_slice %arg7[%dma_start3A_51, %dma_start3A_52] : memref<10240x64xf32, #tpu.memory_space<vmem_shared>> -> memref<10240x64xf32, #tpu.memory_space<vmem_shared>>
        tpu.enqueue_indirect_dma source(%dma_start3A_47 : memref<128x64xf32, #tpu.memory_space<vmem>>) target(%dma_start3A_53 : memref<10240x64xf32, #tpu.memory_space<vmem_shared>>) offsets(%dma_start3A_50 : memref<128xi32, #tpu.memory_space<vmem>>) semaphore(%run_scoped3A_44 : memref<!tpu.dma_semaphore, #tpu.memory_space<semaphore_mem>>) {add = true}
        %dma_wait3A_54 = arith.constant 0 : i32
        %dma_wait3A_55 = arith.constant 0 : i32
        %dma_wait3A_56 = tpu.memref_slice %arg11[%dma_wait3A_54, %dma_wait3A_55] : memref<256x64xf32, #tpu.memory_space<vmem>> -> memref<128x64xf32, #tpu.memory_space<vmem>>
        %dma_wait3A_57 = arith.constant 0 : i32
        %dma_wait3A_58 = tpu.memref_slice %arg10[%run_scoped3A, %dma_wait3A_57] : memref<4x128xi32, #tpu.memory_space<vmem>> -> memref<1x128xi32, #tpu.memory_space<vmem>>
        %dma_wait3A_59 = tpu.memref_squeeze %dma_wait3A_58 : memref<1x128xi32, #tpu.memory_space<vmem>> -> memref<128xi32, #tpu.memory_space<vmem>>
        %dma_wait3A_60 = arith.constant 0 : i32
        %dma_wait3A_61 = arith.constant 0 : i32
        %dma_wait3A_62 = tpu.memref_slice %arg7[%dma_wait3A_60, %dma_wait3A_61] : memref<10240x64xf32, #tpu.memory_space<vmem_shared>> -> memref<10240x64xf32, #tpu.memory_space<vmem_shared>>
        tpu.wait_indirect_dma semaphore(%run_scoped3A_44 : memref<!tpu.dma_semaphore, #tpu.memory_space<semaphore_mem>>) src(%dma_wait3A_56 : memref<128x64xf32, #tpu.memory_space<vmem>>) dst(%dma_wait3A_62 : memref<10240x64xf32, #tpu.memory_space<vmem_shared>>)
        tpu.yield
      }) : () -> ()
      %run_scoped3A_36 = arith.constant 1 : i32
      "tpu.region"() ({
        %run_scoped3A_44 = tpu.sem_alloc : memref<!tpu.dma_semaphore, #tpu.memory_space<semaphore_mem>>
        %dma_start3A_45 = arith.constant 128 : i32
        %dma_start3A_46 = arith.constant 0 : i32
        %dma_start3A_47 = tpu.memref_slice %arg11[%dma_start3A_45, %dma_start3A_46] : memref<256x64xf32, #tpu.memory_space<vmem>> -> memref<128x64xf32, #tpu.memory_space<vmem>>
        %dma_start3A_48 = arith.constant 0 : i32
        %dma_start3A_49 = tpu.memref_slice %arg10[%run_scoped3A_36, %dma_start3A_48] : memref<4x128xi32, #tpu.memory_space<vmem>> -> memref<1x128xi32, #tpu.memory_space<vmem>>
        %dma_start3A_50 = tpu.memref_squeeze %dma_start3A_49 : memref<1x128xi32, #tpu.memory_space<vmem>> -> memref<128xi32, #tpu.memory_space<vmem>>
        %dma_start3A_51 = arith.constant 0 : i32
        %dma_start3A_52 = arith.constant 0 : i32
        %dma_start3A_53 = tpu.memref_slice %arg7[%dma_start3A_51, %dma_start3A_52] : memref<10240x64xf32, #tpu.memory_space<vmem_shared>> -> memref<10240x64xf32, #tpu.memory_space<vmem_shared>>
        tpu.enqueue_indirect_dma source(%dma_start3A_47 : memref<128x64xf32, #tpu.memory_space<vmem>>) target(%dma_start3A_53 : memref<10240x64xf32, #tpu.memory_space<vmem_shared>>) offsets(%dma_start3A_50 : memref<128xi32, #tpu.memory_space<vmem>>) semaphore(%run_scoped3A_44 : memref<!tpu.dma_semaphore, #tpu.memory_space<semaphore_mem>>) {add = true}
        %dma_wait3A_54 = arith.constant 128 : i32
        %dma_wait3A_55 = arith.constant 0 : i32
        %dma_wait3A_56 = tpu.memref_slice %arg11[%dma_wait3A_54, %dma_wait3A_55] : memref<256x64xf32, #tpu.memory_space<vmem>> -> memref<128x64xf32, #tpu.memory_space<vmem>>
        %dma_wait3A_57 = arith.constant 0 : i32
        %dma_wait3A_58 = tpu.memref_slice %arg10[%run_scoped3A_36, %dma_wait3A_57] : memref<4x128xi32, #tpu.memory_space<vmem>> -> memref<1x128xi32, #tpu.memory_space<vmem>>
        %dma_wait3A_59 = tpu.memref_squeeze %dma_wait3A_58 : memref<1x128xi32, #tpu.memory_space<vmem>> -> memref<128xi32, #tpu.memory_space<vmem>>
        %dma_wait3A_60 = arith.constant 0 : i32
        %dma_wait3A_61 = arith.constant 0 : i32
        %dma_wait3A_62 = tpu.memref_slice %arg7[%dma_wait3A_60, %dma_wait3A_61] : memref<10240x64xf32, #tpu.memory_space<vmem_shared>> -> memref<10240x64xf32, #tpu.memory_space<vmem_shared>>
        tpu.wait_indirect_dma semaphore(%run_scoped3A_44 : memref<!tpu.dma_semaphore, #tpu.memory_space<semaphore_mem>>) src(%dma_wait3A_56 : memref<128x64xf32, #tpu.memory_space<vmem>>) dst(%dma_wait3A_62 : memref<10240x64xf32, #tpu.memory_space<vmem_shared>>)
        tpu.yield
      }) : () -> ()
      %dma_wait3A_37 = arith.constant 256 : i32
      %dma_wait3A_38 = tpu.memref_slice %arg9[%dma_wait3A_37] : memref<512xi32, #tpu.memory_space<vmem>> -> memref<256xi32, #tpu.memory_space<vmem>>
      %dma_wait3A_39 = arith.constant 0 : i32
      %dma_wait3A_40 = arith.constant 0 : i32
      %dma_wait3A_41 = tpu.memref_slice %arg8[%dma_wait3A_39, %dma_wait3A_40] : memref<10240x64xf32, #tpu.memory_space<vmem_shared>> -> memref<10240x64xf32, #tpu.memory_space<vmem_shared>>
      tpu.wait_indirect_dma semaphore(%arg14 : memref<!tpu.dma_semaphore, #tpu.memory_space<semaphore_mem>>) src(%dma_wait3A_41 : memref<10240x64xf32, #tpu.memory_space<vmem_shared>>) dst(%arg12 : memref<256x64xf32, #tpu.memory_space<vmem>>)
      %run_scoped3A_42 = arith.constant 2 : i32
      "tpu.region"() ({
        %run_scoped3A_44 = tpu.sem_alloc : memref<!tpu.dma_semaphore, #tpu.memory_space<semaphore_mem>>
        %dma_start3A_45 = arith.constant 0 : i32
        %dma_start3A_46 = arith.constant 0 : i32
        %dma_start3A_47 = tpu.memref_slice %arg12[%dma_start3A_45, %dma_start3A_46] : memref<256x64xf32, #tpu.memory_space<vmem>> -> memref<128x64xf32, #tpu.memory_space<vmem>>
        %dma_start3A_48 = arith.constant 0 : i32
        %dma_start3A_49 = tpu.memref_slice %arg10[%run_scoped3A_42, %dma_start3A_48] : memref<4x128xi32, #tpu.memory_space<vmem>> -> memref<1x128xi32, #tpu.memory_space<vmem>>
        %dma_start3A_50 = tpu.memref_squeeze %dma_start3A_49 : memref<1x128xi32, #tpu.memory_space<vmem>> -> memref<128xi32, #tpu.memory_space<vmem>>
        %dma_start3A_51 = arith.constant 0 : i32
        %dma_start3A_52 = arith.constant 0 : i32
        %dma_start3A_53 = tpu.memref_slice %arg7[%dma_start3A_51, %dma_start3A_52] : memref<10240x64xf32, #tpu.memory_space<vmem_shared>> -> memref<10240x64xf32, #tpu.memory_space<vmem_shared>>
        tpu.enqueue_indirect_dma source(%dma_start3A_47 : memref<128x64xf32, #tpu.memory_space<vmem>>) target(%dma_start3A_53 : memref<10240x64xf32, #tpu.memory_space<vmem_shared>>) offsets(%dma_start3A_50 : memref<128xi32, #tpu.memory_space<vmem>>) semaphore(%run_scoped3A_44 : memref<!tpu.dma_semaphore, #tpu.memory_space<semaphore_mem>>) {add = true}
        %dma_wait3A_54 = arith.constant 0 : i32
        %dma_wait3A_55 = arith.constant 0 : i32
        %dma_wait3A_56 = tpu.memref_slice %arg12[%dma_wait3A_54, %dma_wait3A_55] : memref<256x64xf32, #tpu.memory_space<vmem>> -> memref<128x64xf32, #tpu.memory_space<vmem>>
        %dma_wait3A_57 = arith.constant 0 : i32
        %dma_wait3A_58 = tpu.memref_slice %arg10[%run_scoped3A_42, %dma_wait3A_57] : memref<4x128xi32, #tpu.memory_space<vmem>> -> memref<1x128xi32, #tpu.memory_space<vmem>>
        %dma_wait3A_59 = tpu.memref_squeeze %dma_wait3A_58 : memref<1x128xi32, #tpu.memory_space<vmem>> -> memref<128xi32, #tpu.memory_space<vmem>>
        %dma_wait3A_60 = arith.constant 0 : i32
        %dma_wait3A_61 = arith.constant 0 : i32
        %dma_wait3A_62 = tpu.memref_slice %arg7[%dma_wait3A_60, %dma_wait3A_61] : memref<10240x64xf32, #tpu.memory_space<vmem_shared>> -> memref<10240x64xf32, #tpu.memory_space<vmem_shared>>
        tpu.wait_indirect_dma semaphore(%run_scoped3A_44 : memref<!tpu.dma_semaphore, #tpu.memory_space<semaphore_mem>>) src(%dma_wait3A_56 : memref<128x64xf32, #tpu.memory_space<vmem>>) dst(%dma_wait3A_62 : memref<10240x64xf32, #tpu.memory_space<vmem_shared>>)
        tpu.yield
      }) : () -> ()
      %run_scoped3A_43 = arith.constant 3 : i32
      "tpu.region"() ({
        %run_scoped3A_44 = tpu.sem_alloc : memref<!tpu.dma_semaphore, #tpu.memory_space<semaphore_mem>>
        %dma_start3A_45 = arith.constant 128 : i32
        %dma_start3A_46 = arith.constant 0 : i32
        %dma_start3A_47 = tpu.memref_slice %arg12[%dma_start3A_45, %dma_start3A_46] : memref<256x64xf32, #tpu.memory_space<vmem>> -> memref<128x64xf32, #tpu.memory_space<vmem>>
        %dma_start3A_48 = arith.constant 0 : i32
        %dma_start3A_49 = tpu.memref_slice %arg10[%run_scoped3A_43, %dma_start3A_48] : memref<4x128xi32, #tpu.memory_space<vmem>> -> memref<1x128xi32, #tpu.memory_space<vmem>>
        %dma_start3A_50 = tpu.memref_squeeze %dma_start3A_49 : memref<1x128xi32, #tpu.memory_space<vmem>> -> memref<128xi32, #tpu.memory_space<vmem>>
        %dma_start3A_51 = arith.constant 0 : i32
        %dma_start3A_52 = arith.constant 0 : i32
        %dma_start3A_53 = tpu.memref_slice %arg7[%dma_start3A_51, %dma_start3A_52] : memref<10240x64xf32, #tpu.memory_space<vmem_shared>> -> memref<10240x64xf32, #tpu.memory_space<vmem_shared>>
        tpu.enqueue_indirect_dma source(%dma_start3A_47 : memref<128x64xf32, #tpu.memory_space<vmem>>) target(%dma_start3A_53 : memref<10240x64xf32, #tpu.memory_space<vmem_shared>>) offsets(%dma_start3A_50 : memref<128xi32, #tpu.memory_space<vmem>>) semaphore(%run_scoped3A_44 : memref<!tpu.dma_semaphore, #tpu.memory_space<semaphore_mem>>) {add = true}
        %dma_wait3A_54 = arith.constant 128 : i32
        %dma_wait3A_55 = arith.constant 0 : i32
        %dma_wait3A_56 = tpu.memref_slice %arg12[%dma_wait3A_54, %dma_wait3A_55] : memref<256x64xf32, #tpu.memory_space<vmem>> -> memref<128x64xf32, #tpu.memory_space<vmem>>
        %dma_wait3A_57 = arith.constant 0 : i32
        %dma_wait3A_58 = tpu.memref_slice %arg10[%run_scoped3A_43, %dma_wait3A_57] : memref<4x128xi32, #tpu.memory_space<vmem>> -> memref<1x128xi32, #tpu.memory_space<vmem>>
        %dma_wait3A_59 = tpu.memref_squeeze %dma_wait3A_58 : memref<1x128xi32, #tpu.memory_space<vmem>> -> memref<128xi32, #tpu.memory_space<vmem>>
        %dma_wait3A_60 = arith.constant 0 : i32
        %dma_wait3A_61 = arith.constant 0 : i32
        %dma_wait3A_62 = tpu.memref_slice %arg7[%dma_wait3A_60, %dma_wait3A_61] : memref<10240x64xf32, #tpu.memory_space<vmem_shared>> -> memref<10240x64xf32, #tpu.memory_space<vmem_shared>>
        tpu.wait_indirect_dma semaphore(%run_scoped3A_44 : memref<!tpu.dma_semaphore, #tpu.memory_space<semaphore_mem>>) src(%dma_wait3A_56 : memref<128x64xf32, #tpu.memory_space<vmem>>) dst(%dma_wait3A_62 : memref<10240x64xf32, #tpu.memory_space<vmem_shared>>)
        tpu.yield
      }) : () -> ()
    }
    %scan3A_9 = arith.constant 20 : i32
    %barrier3A_10 = arith.constant 0 : index
    tpu.barrier barrier_id(%barrier3A_10)
    %mul3A_11 = arith.constant 10240 : i32
    %mul3A_12 = arith.muli %arg0, %mul3A_11 : i32
    %add3A_13 = arith.addi %mul3A_12, %mul3A_2 : i32
    "tpu.region"() ({
      %run_scoped3A = tpu.sem_alloc : memref<!tpu.dma_semaphore, #tpu.memory_space<semaphore_mem>>
      %dma_start3A = arith.constant 0 : i32
      %dma_start3A_14 = tpu.memref_slice %arg6[%add3A_13, %dma_start3A] : memref<20480x64xf32, #tpu.memory_space<hbm>> -> memref<640x64xf32, #tpu.memory_space<hbm>>
      %dma_start3A_15 = arith.constant 0 : i32
      %dma_start3A_16 = tpu.memref_slice %arg7[%mul3A_2, %dma_start3A_15] : memref<10240x64xf32, #tpu.memory_space<vmem_shared>> -> memref<640x64xf32, #tpu.memory_space<vmem_shared>>
      tpu.enqueue_dma source(%dma_start3A_16 : memref<640x64xf32, #tpu.memory_space<vmem_shared>>) target(%dma_start3A_14 : memref<640x64xf32, #tpu.memory_space<hbm>>) target_semaphore(%run_scoped3A : memref<!tpu.dma_semaphore, #tpu.memory_space<semaphore_mem>>)
      %dma_wait3A = arith.constant 0 : i32
      %dma_wait3A_17 = tpu.memref_slice %arg6[%add3A_13, %dma_wait3A] : memref<20480x64xf32, #tpu.memory_space<hbm>> -> memref<640x64xf32, #tpu.memory_space<hbm>>
      %dma_wait3A_18 = arith.constant 0 : i32
      %dma_wait3A_19 = tpu.memref_slice %arg7[%mul3A_2, %dma_wait3A_18] : memref<10240x64xf32, #tpu.memory_space<vmem_shared>> -> memref<640x64xf32, #tpu.memory_space<vmem_shared>>
      tpu.wait_dma2 semaphore(%run_scoped3A : memref<!tpu.dma_semaphore, #tpu.memory_space<semaphore_mem>>) src(%dma_wait3A_19 : memref<640x64xf32, #tpu.memory_space<vmem_shared>>) dst(%dma_wait3A_17 : memref<640x64xf32, #tpu.memory_space<hbm>>)
      tpu.yield
    }) : () -> ()
    return
  }
}

module attributes {stable_mosaic.version = 14 : i64} {
  func.func @_mm1_body(%arg0: memref<10240x128xf32, #tpu.memory_space<vmem>>, %arg1: memref<128x128xf32, #tpu.memory_space<vmem>>, %arg2: memref<10240x64xf32, #tpu.memory_space<vmem>>, %arg3: memref<10240x64xf32, #tpu.memory_space<vmem>>) attributes {dimension_semantics = [], scalar_prefetch = 0 : i64, scratch_operands = 0 : i64, tpu.core_type = #tpu.core_type<tc>} {
    %get3A = arith.constant 0 : index
    %get3A_0 = arith.constant 0 : index
    %get3A_1 = vector.load %arg0[%get3A, %get3A_0] : memref<10240x128xf32, #tpu.memory_space<vmem>>, vector<10240x128xf32>
    %get3A_2 = arith.constant 0 : index
    %get3A_3 = arith.constant 0 : index
    %get3A_4 = vector.load %arg1[%get3A_2, %get3A_3] : memref<128x128xf32, #tpu.memory_space<vmem>>, vector<128x128xf32>
    %dot_general3A = arith.constant dense<0.000000e+00> : vector<10240x128xf32>
    %dot_general3A_5 = tpu.matmul %get3A_1, %get3A_4, %dot_general3A {dimension_numbers = #tpu.dot_dimension_numbers<[1], [0], [0], [1], [0, 0, 1, 1], [], []>, transpose_lhs_hint = false} : vector<10240x128xf32>, vector<128x128xf32>, vector<10240x128xf32> -> vector<10240x128xf32>
    %slice3A = vector.extract_strided_slice %dot_general3A_5 {offsets = [0, 0], sizes = [10240, 64], strides = [1, 1]} : vector<10240x128xf32> to vector<10240x64xf32>
    %swap3A = arith.constant 0 : index
    %swap3A_6 = arith.constant 0 : index
    %swap3A_7 = vector.load %arg2[%swap3A, %swap3A_6] : memref<10240x64xf32, #tpu.memory_space<vmem>>, vector<10240x64xf32>
    tpu.vector_store %arg2[%swap3A, %swap3A_6], %slice3A {strides = array<i32>} : memref<10240x64xf32, #tpu.memory_space<vmem>>, vector<10240x64xf32>,
    %slice3A_8 = vector.extract_strided_slice %dot_general3A_5 {offsets = [0, 64], sizes = [10240, 64], strides = [1, 1]} : vector<10240x128xf32> to vector<10240x64xf32>
    %swap3A_9 = arith.constant 0 : index
    %swap3A_10 = arith.constant 0 : index
    %swap3A_11 = vector.load %arg3[%swap3A_9, %swap3A_10] : memref<10240x64xf32, #tpu.memory_space<vmem>>, vector<10240x64xf32>
    tpu.vector_store %arg3[%swap3A_9, %swap3A_10], %slice3A_8 {strides = array<i32>} : memref<10240x64xf32, #tpu.memory_space<vmem>>, vector<10240x64xf32>,
    return
  }
}

module attributes {stable_mosaic.version = 14 : i64} {
  func.func @_h_body(%arg0: memref<20480x64xf32, #tpu.memory_space<vmem>>, %arg1: memref<20480x8xf32, #tpu.memory_space<vmem>>, %arg2: memref<10240x64xf32, #tpu.memory_space<vmem>>, %arg3: memref<1x64xf32, #tpu.memory_space<vmem>>, %arg4: memref<10240x64xf32, #tpu.memory_space<vmem>>, %arg5: memref<10240x8xf32, #tpu.memory_space<vmem>>) attributes {dimension_semantics = [], scalar_prefetch = 0 : i64, scratch_operands = 0 : i64, tpu.core_type = #tpu.core_type<tc>} {
    %get3A = arith.constant 0 : index
    %get3A_0 = arith.constant 0 : index
    %get3A_1 = vector.load %arg1[%get3A, %get3A_0] : memref<20480x8xf32, #tpu.memory_space<vmem>>, vector<10240x8xf32>
    %get3A_2 = arith.constant 10240 : index
    %get3A_3 = arith.constant 0 : index
    %get3A_4 = vector.load %arg1[%get3A_2, %get3A_3] : memref<20480x8xf32, #tpu.memory_space<vmem>>, vector<10240x8xf32>
    %add3A = arith.addf %get3A_1, %get3A_4 : vector<10240x8xf32>
    %max3A = arith.constant 1.000000e+00 : f32
    %max3A_5 = vector.broadcast %max3A : f32 to vector<10240x8xf32>
    %max3A_6 = arith.maximumf %add3A, %max3A_5 : vector<10240x8xf32>
    %div3A = arith.constant 1.000000e+00 : f32
    %div3A_7 = vector.broadcast %div3A : f32 to vector<10240x8xf32>
    %div3A_8 = arith.divf %div3A_7, %max3A_6 : vector<10240x8xf32>
    %get3A_9 = arith.constant 0 : index
    %get3A_10 = arith.constant 0 : index
    %get3A_11 = vector.load %arg0[%get3A_9, %get3A_10] : memref<20480x64xf32, #tpu.memory_space<vmem>>, vector<10240x64xf32>
    %get3A_12 = arith.constant 10240 : index
    %get3A_13 = arith.constant 0 : index
    %get3A_14 = vector.load %arg0[%get3A_12, %get3A_13] : memref<20480x64xf32, #tpu.memory_space<vmem>>, vector<10240x64xf32>
    %add3A_15 = arith.addf %get3A_11, %get3A_14 : vector<10240x64xf32>
    %slice3A = vector.extract_strided_slice %div3A_8 {offsets = [0, 0], sizes = [10240, 1], strides = [1, 1]} : vector<10240x8xf32> to vector<10240x1xf32>
    %mul3A = vector.broadcast %slice3A : vector<10240x1xf32> to vector<10240x64xf32>
    %mul3A_16 = arith.mulf %add3A_15, %mul3A : vector<10240x64xf32>
    %get3A_17 = arith.constant 0 : index
    %get3A_18 = arith.constant 0 : index
    %get3A_19 = vector.load %arg3[%get3A_17, %get3A_18] : memref<1x64xf32, #tpu.memory_space<vmem>>, vector<1x64xf32>
    %add3A_20 = vector.broadcast %get3A_19 : vector<1x64xf32> to vector<10240x64xf32>
    %add3A_21 = arith.addf %mul3A_16, %add3A_20 : vector<10240x64xf32>
    %get3A_22 = arith.constant 0 : index
    %get3A_23 = arith.constant 0 : index
    %get3A_24 = vector.load %arg2[%get3A_22, %get3A_23] : memref<10240x64xf32, #tpu.memory_space<vmem>>, vector<10240x64xf32>
    %add3A_25 = arith.addf %add3A_21, %get3A_24 : vector<10240x64xf32>
    %max3A_26 = arith.constant 0.000000e+00 : f32
    %max3A_27 = vector.broadcast %max3A_26 : f32 to vector<10240x64xf32>
    %max3A_28 = arith.maximumf %add3A_25, %max3A_27 : vector<10240x64xf32>
    %swap3A = arith.constant 0 : index
    %swap3A_29 = arith.constant 0 : index
    %swap3A_30 = vector.load %arg4[%swap3A, %swap3A_29] : memref<10240x64xf32, #tpu.memory_space<vmem>>, vector<10240x64xf32>
    tpu.vector_store %arg4[%swap3A, %swap3A_29], %max3A_28 {strides = array<i32>} : memref<10240x64xf32, #tpu.memory_space<vmem>>, vector<10240x64xf32>,
    %swap3A_31 = arith.constant 0 : index
    %swap3A_32 = arith.constant 0 : index
    %swap3A_33 = vector.load %arg5[%swap3A_31, %swap3A_32] : memref<10240x8xf32, #tpu.memory_space<vmem>>, vector<10240x8xf32>
    tpu.vector_store %arg5[%swap3A_31, %swap3A_32], %div3A_8 {strides = array<i32>} : memref<10240x8xf32, #tpu.memory_space<vmem>>, vector<10240x8xf32>,
    return
  }
}

module attributes {stable_mosaic.version = 14 : i64} {
  func.func @_out_body(%arg0: memref<20480x64xf32, #tpu.memory_space<vmem>>, %arg1: memref<10240x8xf32, #tpu.memory_space<vmem>>, %arg2: memref<10240x64xf32, #tpu.memory_space<vmem>>, %arg3: memref<64x128xf32, #tpu.memory_space<vmem>>, %arg4: memref<64x128xf32, #tpu.memory_space<vmem>>, %arg5: memref<1x128xf32, #tpu.memory_space<vmem>>, %arg6: memref<10240x128xf32, #tpu.memory_space<vmem>>) attributes {dimension_semantics = [], scalar_prefetch = 0 : i64, scratch_operands = 0 : i64, tpu.core_type = #tpu.core_type<tc>} {
    %get3A = arith.constant 0 : index
    %get3A_0 = arith.constant 0 : index
    %get3A_1 = vector.load %arg0[%get3A, %get3A_0] : memref<20480x64xf32, #tpu.memory_space<vmem>>, vector<10240x64xf32>
    %get3A_2 = arith.constant 10240 : index
    %get3A_3 = arith.constant 0 : index
    %get3A_4 = vector.load %arg0[%get3A_2, %get3A_3] : memref<20480x64xf32, #tpu.memory_space<vmem>>, vector<10240x64xf32>
    %add3A = arith.addf %get3A_1, %get3A_4 : vector<10240x64xf32>
    %get3A_5 = arith.constant 0 : index
    %get3A_6 = arith.constant 0 : index
    %get3A_7 = vector.load %arg1[%get3A_5, %get3A_6] : memref<10240x8xf32, #tpu.memory_space<vmem>>, vector<10240x1xf32>
    %mul3A = vector.broadcast %get3A_7 : vector<10240x1xf32> to vector<10240x64xf32>
    %mul3A_8 = arith.mulf %add3A, %mul3A : vector<10240x64xf32>
    %get3A_9 = arith.constant 0 : index
    %get3A_10 = arith.constant 0 : index
    %get3A_11 = vector.load %arg3[%get3A_9, %get3A_10] : memref<64x128xf32, #tpu.memory_space<vmem>>, vector<64x128xf32>
    %dot_general3A = arith.constant dense<0.000000e+00> : vector<10240x128xf32>
    %dot_general3A_12 = tpu.matmul %mul3A_8, %get3A_11, %dot_general3A {dimension_numbers = #tpu.dot_dimension_numbers<[1], [0], [0], [1], [0, 0, 1, 1], [], []>, transpose_lhs_hint = false} : vector<10240x64xf32>, vector<64x128xf32>, vector<10240x128xf32> -> vector<10240x128xf32>
    %get3A_13 = arith.constant 0 : index
    %get3A_14 = arith.constant 0 : index
    %get3A_15 = vector.load %arg2[%get3A_13, %get3A_14] : memref<10240x64xf32, #tpu.memory_space<vmem>>, vector<10240x64xf32>
    %get3A_16 = arith.constant 0 : index
    %get3A_17 = arith.constant 0 : index
    %get3A_18 = vector.load %arg4[%get3A_16, %get3A_17] : memref<64x128xf32, #tpu.memory_space<vmem>>, vector<64x128xf32>
    %dot_general3A_19 = arith.constant dense<0.000000e+00> : vector<10240x128xf32>
    %dot_general3A_20 = tpu.matmul %get3A_15, %get3A_18, %dot_general3A_19 {dimension_numbers = #tpu.dot_dimension_numbers<[1], [0], [0], [1], [0, 0, 1, 1], [], []>, transpose_lhs_hint = false} : vector<10240x64xf32>, vector<64x128xf32>, vector<10240x128xf32> -> vector<10240x128xf32>
    %add3A_21 = arith.addf %dot_general3A_12, %dot_general3A_20 : vector<10240x128xf32>
    %get3A_22 = arith.constant 0 : index
    %get3A_23 = arith.constant 0 : index
    %get3A_24 = vector.load %arg5[%get3A_22, %get3A_23] : memref<1x128xf32, #tpu.memory_space<vmem>>, vector<1x128xf32>
    %add3A_25 = vector.broadcast %get3A_24 : vector<1x128xf32> to vector<10240x128xf32>
    %add3A_26 = arith.addf %add3A_21, %add3A_25 : vector<10240x128xf32>
    %swap3A = arith.constant 0 : index
    %swap3A_27 = arith.constant 0 : index
    %swap3A_28 = vector.load %arg6[%swap3A, %swap3A_27] : memref<10240x128xf32, #tpu.memory_space<vmem>>, vector<10240x128xf32>
    tpu.vector_store %arg6[%swap3A, %swap3A_27], %add3A_26 {strides = array<i32>} : memref<10240x128xf32, #tpu.memory_space<vmem>>, vector<10240x128xf32>,
    return
  }
}

</mosaic_0001>

<sc_bundles>
// kernel: kernel.10.cloned.1.call-start
scs
__scs_entry_jumppad:
0x0: {  	(pc) =	sbr.rel $0x88, $3  }
0x1: {  	(tag) =	ssettag $0x0;
	lr =	simm.s32 $0x1  }
0x2: {  	[smem:$0x3F99] =	sst lr;
	_ =	strace $0xD0000000  }
0x3: {  	_ = 	snop  }
0x4: {  	_ = 	snop  }
0x5: {  	_ = 	snop  }
0x6: {  	_ = 	snop  }
0x7: {  	_ = 	snop  }
__scs_overlays_trampoline_lowered:
0x8: {  	[smem:$0x3FA8] =	sst s0  }
0x9: {  	[smem:$0x3FA9] =	sst s1  }
0xa: {  	[smem:$0x3FAA] =	sst s2  }
0xb: {  	[smem:$0x3FAB] =	sst s3  }
0xc: {  	[smem:$0x3FAC] =	sst s4  }
0xd: {  	[smem:$0x3FAD] =	sst s5  }
0xe: {  	[smem:$0x3FAE] =	sst s6  }
0xf: {  	[smem:$0x3FAF] =	sst s7  }
0x10: {  	[smem:$0x3FB0] =	sst s8  }
0x11: {  	[smem:$0x3FB1] =	sst s9;
	s0 =	simm.s32 @!p0 $0x0  }
0x12: {  	s1 =	sld [smem:$0x3F97];
	s0 =	simm.s32 @p0 $0x1  }
0x13: {  	[smem:$0x3FB2] =	sst s0;
	s0 =	simm.s32 @!p1 $0x0  }
0x14: {  	s2 =	sld [smem:$0x3F96];
	s0 =	simm.s32 @p1 $0x1  }
0x15: {  	[smem:$0x3FB3] =	sst s0;
	s0 =	simm.s32 @!p2 $0x0  }
0x16: {  	s3 =	sld [smem:$0x3FDB];
	s0 =	simm.s32 @p2 $0x1  }
0x17: {  	s4 =	simm.s32 $0x1BF5;
	[smem:$0x3FB5] =	sst s0  }
0x18: {  	s0 =	sld [smem:$0x3F98];
	_ =	swait.ge [sflag:s4], $0x0  }
0x19: {  	s7 =	sld [smem:$0x3F99]  }
0x1a: {  	s8 =	sadd.s32 $0xFFFFE003, lr  }
0x1b: {  	s9 =	sadd.s32 $0xFFFFFEF7, lr;
	s5 =	simm.s32 $0xFFFFFFFF;
	p2 =	slt.u32 s8, $0xFFFFF086  }
0x1c: {  	p1 =	slt.u32 s9, $0xF7A;
	s5 =	simm.s32 @!p2 $0x0  }
0x1d: {  	s5 =	simm.s32 @p1 $0x1;
	p0 =	seq.s32 s7, s2  }
0x1e: {  	s7 =	smul.u32 @!p0 $0xF7A, s2;
	p2 =	seq.s32 @!p0 s5, $0x0  }
0x1f: {  	s9 =	smul.u32 $0xF7A, s1;
	s8 =	simm.s32 @!p0 $0x1BF5;
	p2 =	por !p2, p0  }
0x20: {  	[sflag:s8] =	ssyncset.s32 @!p0 $0xFFFFF086;
	s6 =	sadd.s32 @!p0 s3, s7;
	s7 =	simm.s32 @!p0 $0x108  }
0x21: {  	s3 =	sadd.s32 s3, s9;
	s6 =	sadd.s32 @!p0 $0x88, s6;
	s7 =	simm.s32 @p2 $0x1082  }
0x22: {  	[simem:s7], [sflag:s8] =	dma.local @!p0 [hbm:s6], $0xF7A  }
0x23: {  	s9 =	sor.u32 $0xD0000000, s2;
	s6 =	simm.s32 $0x108;
	_ =	swait.ge @!p0 [sflag:s8], $0x0  }
0x24: {  	s3 =	sadd.s32 $0x88, s3;
	s6 =	simm.s32 @!p1 $0x1082;
	[sflag:s4] =	ssyncset.s32 $0xFFFFF086  }
0x25: {  	[simem:s6], [sflag:s4] =	dma.local [hbm:s3], $0xF7A  }
0x26: {  	[smem:$0x3F99] =	sst s1;
	(tag) =	ssettag s2;
	_ =	strace s9  }
0x27: {  	s1 =	sld [smem:$0x3FA9]  }
0x28: {  	s2 =	sld [smem:$0x3FAA]  }
0x29: {  	s4 =	sld [smem:$0x3FAC]  }
0x2a: {  	p0 =	seq.s32 s5, $0x0;
	s5 =	sld [smem:$0x3FAD]  }
0x2b: {  	s6 =	sld [smem:$0x3FAE]  }
0x2c: {  	s7 =	sld [smem:$0x3FAF]  }
0x2d: {  	s3 =	simm.s32 $0x108;
	s8 =	sld [smem:$0x3FB0]  }
0x2e: {  	s3 =	simm.s32 @!p0 $0x1082;
	s9 =	sld [smem:$0x3FB1]  }
0x2f: {  	lr =	sadd.s32 s0, s3;
	s0 =	sld [smem:$0x3FA8]  }
0x30: {  	s3 =	sld [smem:$0x3FAB]  }
0x31: {  	[smem:$0x3FB4] =	sst s10  }
0x32: {  	s10 =	sld [smem:$0x3FB2];
	_ =	sdelay $0x3  }
0x33: {  	p0 =	seq.s32 s10, $0x1;
	s10 =	sld [smem:$0x3FB4];
	_ =	sdelay $0x3  }
0x34: {  	[smem:$0x3FB4] =	sst s10  }
0x35: {  	s10 =	sld [smem:$0x3FB3];
	_ =	sdelay $0x3  }
0x36: {  	p1 =	seq.s32 s10, $0x1;
	s10 =	sld [smem:$0x3FB4];
	_ =	sdelay $0x3  }
0x37: {  	[smem:$0x3FB4] =	sst s10  }
0x38: {  	s10 =	sld [smem:$0x3FB5]  }
0x39: {  	_ = 	snop;
	(pc) =	sbr.ind lr, $3  }
0x3a: {  	_ = 	snop  }
0x3b: {  	_ = 	snop  }
0x3c: {  	p2 =	seq.s32 s10, $0x1;
	s10 =	sld [smem:$0x3FB4]  }
0x3d: {  	_ =	shalt  }
0x3e: {  	_ =	shalt  }
0x3f: {  	_ =	shalt  }
0x40: {  	_ =	shalt  }
0x41: {  	_ =	shalt  }
0x42: {  	_ =	shalt  }
0x43: {  	_ =	shalt  }
0x44: {  	_ =	shalt  }
0x45: {  	_ =	shalt  }
0x46: {  	_ =	shalt  }
0x47: {  	_ =	shalt  }
0x48: {  	_ =	shalt  }
0x49: {  	_ =	shalt  }
0x4a: {  	_ =	shalt  }
0x4b: {  	_ =	shalt  }
0x4c: {  	_ =	shalt  }
0x4d: {  	_ =	shalt  }
0x4e: {  	_ =	shalt  }
0x4f: {  	_ =	shalt  }
0x50: {  	_ =	shalt  }
0x51: {  	_ =	shalt  }
0x52: {  	_ =	shalt  }
0x53: {  	_ =	shalt  }
0x54: {  	_ =	shalt  }
0x55: {  	_ =	shalt  }
0x56: {  	_ =	shalt  }
0x57: {  	_ =	shalt  }
0x58: {  	_ =	shalt  }
0x59: {  	_ =	shalt  }
0x5a: {  	_ =	shalt  }
0x5b: {  	_ =	shalt  }
0x5c: {  	_ =	shalt  }
0x5d: {  	_ =	shalt  }
0x5e: {  	_ =	shalt  }
0x5f: {  	_ =	shalt  }
0x60: {  	_ =	shalt  }
0x61: {  	_ =	shalt  }
0x62: {  	_ =	shalt  }
0x63: {  	_ =	shalt  }
0x64: {  	_ =	shalt  }
0x65: {  	_ =	shalt  }
0x66: {  	_ =	shalt  }
0x67: {  	_ =	shalt  }
0x68: {  	_ =	shalt  }
0x69: {  	_ =	shalt  }
0x6a: {  	_ =	shalt  }
0x6b: {  	_ =	shalt  }
0x6c: {  	_ =	shalt  }
0x6d: {  	_ =	shalt  }
0x6e: {  	_ =	shalt  }
0x6f: {  	_ =	shalt  }
0x70: {  	_ =	shalt  }
0x71: {  	_ =	shalt  }
0x72: {  	_ =	shalt  }
0x73: {  	_ =	shalt  }
0x74: {  	_ =	shalt  }
0x75: {  	_ =	shalt  }
0x76: {  	_ =	shalt  }
0x77: {  	_ =	shalt  }
0x78: {  	_ =	shalt  }
0x79: {  	_ =	shalt  }
0x7a: {  	_ =	shalt  }
0x7b: {  	_ =	shalt  }
0x7c: {  	_ =	shalt  }
0x7d: {  	_ =	shalt  }
0x7e: {  	_ =	shalt  }
0x7f: {  	_ =	shalt  }
0x80: {  	_ =	shalt  }
0x81: {  	_ =	shalt  }
0x82: {  	_ =	shalt  }
0x83: {  	_ =	shalt  }
0x84: {  	_ =	shalt  }
0x85: {  	_ =	shalt  }
0x86: {  	_ =	shalt  }
0x87: {  	_ =	shalt  }
.Lfunc_end0:
.L_simem_size_0:
called_computation.1_lowered:
.L_overlay_start_0:
0x88: {  	s2 =	sld [smem:$0x3FD9]  }
0x89: {  	s3 =	sld [smem:$0x3FFE];
	_ =	sdelay $0x1  }
0x8a: {  	s1 =	srdreg.scid  }
0x8b: {  	s0 =	sand.u32 $0x1, s1  }
0x8c: {  	s17 =	sshll.u32 s0, $0xA;
	s2 =	sadd.s32 s3, s2  }
0x8d: {  	s2 =	sadd.s32 s2, s17  }
0x8e: {  	[smem:$0x3FC0] =	sst s2  }
0x8f: {  	_ = 	snop  }
0x90: {  	s2 =	sld [smem:$0x3FD0];
	(tm) =	ssettm $0x1  }
0x91: {  	s18 =	sld [smem:$0x3FFB];
	_ =	sdelay $0x3  }
0x92: {  	_ =	strace s18  }
0x93: {  	s3 =	sld [smem:$0x3FFC];
	_ =	sdelay $0x3  }
0x94: {  	_ =	strace s3  }
0x95: {  	s3 =	sld [smem:$0x3FFD];
	_ =	sdelay $0x3  }
0x96: {  	_ =	strace s3  }
0x97: {  	_ =	strace $0x8FFFFFFF  }
0x98: {  	s19 =	sld [smem:$0x3FDB];
	_ =	sdelay $0x1  }
0x99: {  	s4 =	simm.s32 $_scs_section_size  }
0x9a: {  	s5 =	simm.s32 $_size__tile_overlayer_lowered;
	s6 =	simm.s32 $_tile_overlayer_lowered  }
0x9b: {  	s22 =	simm.s32 $0x1BFF;
	s21 =	sshll.u32 s6, $0x1;
	s3 =	sadd.s32 s4, s19  }
0x9c: {  	s7 =	simm.s32 $0x0;
	s20 =	sshll.u32 s5, $0x1;
	s5 =	sadd.s32 s21, s3  }
0x9d: {  	[timem:s7], [sflag:s22] =	dma.local [hbm:s5], s20  }
0x9e: {  	_ =	swait.ge [sflag:s22], s20  }
0x9f: {  	s4 =	ssub.s32 $0x0, s20;
	[sflag:s22] =	ssyncset.done $0x0  }
0xa0: {  	[sflag:s22] =	ssyncadd.s32 s4;
	_ =	sdelay $0x1  }
0xa1: {  	s23 =	simm.s32 $0x1B8B  }
0xa2: {  	_ =	swait.ge [sflag:s23], $0x1  }
0xa3: {  	[sflag:s23] =	ssyncset.done $0x0  }
0xa4: {  	s25 =	simm.s32 $0x1B8E;
	s24 =	sld [smem:$0x3FFE];
	[sflag:s23] =	ssyncadd.s32 $0xFFFFFFFF  }
0xa5: {  	s26 =	simm.s32 $execute0_lowered;
	[smem:$0x3FD2] =	sst s25  }
0xa6: {  	s5 =	sshll.u32 s26, $0x1;
	_ =	strace $0x80000049;
	[dreg:$0x1] =	wrdreg $0xFFFFFFFF  }
0xa7: {  	s28 =	simm.s32 $_size_execute0_lowered;
	s3 =	sadd.s32 s3, s5;
	[dreg:$0x0] =	wrdreg $0x0  }
0xa8: {  	s5 =	sshll.u32 s28, $0x1;
	[dreg:$0x2] =	wrdreg s3  }
0xa9: {  	[dreg:$0x3] =	wrdreg s5  }
0xaa: {  	[dreg:$0x4] =	wrdreg $0xC0  }
0xab: {  	_ =	task [dreg:s7], $0x5FFFF  }
0xac: {  	[dreg:$0x1] =	wrdreg $0xFFFFFFFF  }
0xad: {  	[dreg:$0x0] =	wrdreg $0x60  }
0xae: {  	[dreg:$0x2] =	wrdreg s2  }
0xaf: {  	[dreg:$0x3] =	wrdreg s24  }
0xb0: {  	[dreg:$0x4] =	wrdreg $0x0  }
0xb1: {  	[dreg:$0x5] =	wrdreg $0xA0000  }
0xb2: {  	[dreg:$0x6] =	wrdreg $0x9  }
0xb3: {  	_ =	task.clear_ibuf [dreg:s7], $0x7FFFF;
	_ =	strace $0x90000049  }
0xb4: {  	s29 =	simm.s32 $0x9;
	_ =	strace $0x8000004B  }
0xb5: {  	_ =	swait.ge [sflag:s29], $0x1  }
0xb6: {  	[sflag:s29] =	ssyncadd.s32 $0xFFFFFFFF  }
0xb7: {  	_ =	strace $0x9000004B  }
0xb8: {  	_ =	sfence  }
0xb9: {  	s30 =	sld [smem:$0x0];
	_ =	sdelay $0x2  }
0xba: {  	s31 =	sshll.u32 s1, $0xD;
	s1 =	sshrl.u32 s1, $0x2  }
0xbb: {  	s3 =	sand.u32 $0x4000, s31;
	s1 =	sadd.s32 s1, s30  }
0xbc: {  	s0 =	sor.u32 s3, s0;
	s1 =	sshll.u32 s1, $0x11  }
0xbd: {  	s0 =	sor.u32 s1, s0  }
0xbe: {  	s0 =	sadd.s32 $0x8F2B, s0  }
0xbf: {  	[sflag:s0] =	ssyncadd.remote.s32 $0x1  }
0xc0: {  	_ =	sfence.sel $0xFFFF  }
0xc1: {  	[dreg:$0x0] =	wrdreg $0xFFFFFFFF;
	(pc) =	sbr.abs _section_cstart, $3  }
0xc2: {  	[dreg:$0x1] =	wrdreg $0xFFFFFFFF  }
0xc3: {  	_ =	task.clear_ibuf [dreg:s7], $0x2FFFF;
	_ =	strace $0x9FFFFFFF  }
0xc4: {  	(tm) =	ssettm $0x7FFFFFFF  }
0xc5: {  	_ =	shalt  }
tec
execute0_lowered:
.L_overlay_start_1:
0x0: {  	(tag) =	ssettag $0x1  }
0x1: {  	s0 =	rddreg [dreg:$0x0]  }
0x2: {  	s1 =	rddreg [dreg:$0x1]  }
0x3: {  	s3 =	srdreg.scid;
	s12 =	stileid.u32  }
0x4: {  	s2 =	rddreg [dreg:$0x2];
	s4 =	simm.s32 $0x0;
	s13 =	simm.s32 $0x3  }
0x5: {  	s15 =	simm.s32 $0x14000;
	s16 =	simm.s32 $0x14200;
	s17 =	simm.s32 $0x100  }
0x6: {  	s18 =	simm.s32 $0x14400;
	s19 =	simm.s32 $0x14100;
	s20 =	simm.s32 $0x18400  }
0x7: {  	s21 =	simm.s32 $0x1;
	s28 =	simm.s32 $0x14380;
	s6 =	smul.u32 $0x5000, s12  }
0x8: {  	s29 =	simm.s32 $0x1A400;
	s30 =	simm.s32 $0x0;
	s8 =	smul.u32 $0xA000, s12  }
0x9: {  	s5 =	sand.u32 $0x1, s3;
	s3 =	rddreg [dreg:$0x3];
	s22 =	smul.u32 $0x1400, s12  }
0xa: {  	[smem:$0x7FF] =	sst s4;
	s25 =	sshll.u32 s12, $0x6;
	s7 =	smul.u32 $0x2800, s5  }
0xb: {  	_ =	strace $0x8000004A;
	s9 =	smul.u32 $0x14000, s5;
	s5 =	ssub.s32 $0x2, s5  }
0xc: {  	s10 =	sshrl.u32 s8, $0x3;
	s24 =	sshrl.u32 s5, $0x1;
	s26 =	sadd.s32 s8, s2  }
0xd: {  	s14 =	sadd.s32 s8, s3;
	s6 =	sadd.s32 s7, s6;
	s23 =	sadd.s32 s10, s1  }
0xe: {  	s7 =	sadd.s32 s22, s9;
	s9 =	ssub.s32 s5, s24;
	s0 =	sadd.s32 s0, s10  }
0xf: {  	s12 =	sshrl.u32 s26, $0x3;
	s14 =	sshrl.u32 s14, $0x3;
	s22 =	simm.s32 $0x80  }
0x10: {  	s24 =	simm.s32 $0x16400;
	s26 =	simm.s32 $0x14300;
	s6 =	sshrl.u32 s6, $0x3  }
0x11: {  	s31 =	sadd.s32 $0x17E00, s23;
	[dreg:$0x6] =	wrdreg s0;
	s9 =	smax.u32 s9, $0x1  }
0x12: {  	s23 =	simm.s32 $0x14280;
	s11 =	sadd.s32 s6, s1;
	s1 =	sadd.s32 s7, s1  }
0x13: {  	[dreg:$0x5] =	wrdreg s31;
	s6 =	sor.u32 $0x1C03, s25;
	s25 =	simm.s32 $0x2  }
0x14: {  	s8 =	sadd.s32 $0x2BE00, s1;
	s10 =	sadd.s32 $0x1400, s11;
	s11 =	sadd.s32 $0xB400, s11  }
.LBB2_1:
0x15: {  	s0 =	rddreg [dreg:$0x5]  }
0x16: {  	[spmem:s12], [sflag:s6] =	dma.local [hbm:s0], $0x1400  }
0x17: {  	_ =	swait.ge [sflag:s13], $0x1400  }
0x18: {  	[sflag:s13] =	ssyncset.done $0x0  }
0x19: {  	s1 =	rddreg [dreg:$0x6];
	[sflag:s13] =	ssyncadd.s32 $0xFFFFEC00  }
0x1a: {  	[spmem:s14], [sflag:s6] =	dma.local [hbm:s1], $0x1400  }
0x1b: {  	_ =	swait.ge [sflag:s13], $0x1400  }
0x1c: {  	[sflag:s13] =	ssyncset.done $0x0  }
0x1d: {  	[sflag:s13] =	ssyncadd.s32 $0xFFFFEC00  }
0x1e: {  	s5 =	sadd.s32 $0x0, s11;
	[bflag:$0x0] =	sbarrier.arrive $0xFFFF  }
0x1f: {  	[tilespmem:s15], [sflag:$0x3] =	stream.linear.gather [hbm4b:s5+s4], $0x200, $0x38;
	[tilespmem:$0x1C400] =	vst v63  }
0x20: {  	_ =	swait.ge [sflag:s13], $0x200  }
0x21: {  	[sflag:s13] =	ssyncset.done $0x0  }
0x22: {  	s7 =	sadd.s32 $0x0, s10;
	[sflag:s13] =	ssyncadd.s32 $0xFFFFFE00  }
0x23: {  	[tilespmem:s16], [sflag:$0x3] =	stream.linear.gather [hbm4b:s7+s4], $0x200, $0x38;
	[tilespmem:$0x1C400] =	vst v63  }
0x24: {  	_ =	swait.ge [sflag:s13], $0x200  }
0x25: {  	[sflag:s13] =	ssyncset.done $0x0  }
0x26: {  	[sflag:s13] =	ssyncadd.s32 $0xFFFFFE00  }
0x27: {  	[tilespmem:s18], [sflag:$0x1] =	stream.indirect.gather [spmem:s3], $0x40, s15, s17, $0xb8;
	[tilespmem:$0x1C400] =	vst v63  }
0x28: {  	_ = 	snop  }
0x29: {  	[tilespmem:s20], [sflag:$0x2] =	stream.indirect.gather [spmem:s3], $0x40, s19, s17, $0xb8;
	[tilespmem:$0x1C400] =	vst v63  }
0x2a: {  	_ =	swait.ge [sflag:s21], $0x4000  }
0x2b: {  	[sflag:s21] =	ssyncset.done $0x0  }
0x2c: {  	[sflag:s21] =	ssyncadd.s32 $0xFFFFC000  }
0x2d: {  	[spmem:s2] =	stream.indirect.scatter.add.f32 [tilespmem:s18], [sflag:$0x3], $0x40, s16, s22, $0xb8;
	[tilespmem:$0x1C400] =	vst v63  }
0x2e: {  	_ =	swait.ge [sflag:s13], $0x2000  }
0x2f: {  	[sflag:s13] =	ssyncset.done $0x0  }
0x30: {  	[sflag:s13] =	ssyncadd.s32 $0xFFFFE000  }
0x31: {  	[spmem:s2] =	stream.indirect.scatter.add.f32 [tilespmem:s24], [sflag:$0x3], $0x40, s23, s22, $0xb8;
	[tilespmem:$0x1C400] =	vst v63  }
0x32: {  	_ =	swait.ge [sflag:s13], $0x2000  }
0x33: {  	[sflag:s13] =	ssyncset.done $0x0  }
0x34: {  	[sflag:s13] =	ssyncadd.s32 $0xFFFFE000  }
0x35: {  	_ =	swait.ge [sflag:s25], $0x4000  }
0x36: {  	[sflag:s25] =	ssyncset.done $0x0  }
0x37: {  	[sflag:s25] =	ssyncadd.s32 $0xFFFFC000  }
0x38: {  	[spmem:s2] =	stream.indirect.scatter.add.f32 [tilespmem:s20], [sflag:$0x3], $0x40, s26, s22, $0xb8;
	[tilespmem:$0x1C400] =	vst v63  }
0x39: {  	_ =	swait.ge [sflag:s13], $0x2000  }
0x3a: {  	[sflag:s13] =	ssyncset.done $0x0  }
0x3b: {  	[sflag:s13] =	ssyncadd.s32 $0xFFFFE000  }
0x3c: {  	[spmem:s2] =	stream.indirect.scatter.add.f32 [tilespmem:s29], [sflag:$0x3], $0x40, s28, s22, $0xb8;
	[tilespmem:$0x1C400] =	vst v63  }
0x3d: {  	_ =	swait.ge [sflag:s13], $0x2000  }
0x3e: {  	s31 =	simm.s32 $0x40;
	s1 =	simm.s32 $0x80;
	[sflag:s13] =	ssyncset.done $0x0  }
.LBB2_2:
0x3f: {  	s5 =	sadd.s32 s31, s11  }
0x40: {  	[sflag:s13] =	ssyncadd.s32 $0xFFFFE000;
	s7 =	smov.u32 s1;
	s0 =	sadd.s32 $0x40, s1  }
0x41: {  	[tilespmem:s15], [sflag:$0x3] =	stream.linear.gather [hbm4b:s5+s4], $0x200, $0x38;
	[tilespmem:$0x1C400] =	vst v63  }
0x42: {  	p0 =	sne.s32 s1, $0x4C0;
	_ =	swait.ge [sflag:s13], $0x200  }
0x43: {  	[sflag:s13] =	ssyncset.done $0x0  }
0x44: {  	s1 =	sadd.s32 s31, s10;
	s31 =	smov.u32 s7;
	[sflag:s13] =	ssyncadd.s32 $0xFFFFFE00  }
0x45: {  	[tilespmem:s16], [sflag:$0x3] =	stream.linear.gather [hbm4b:s1+s4], $0x200, $0x38;
	[tilespmem:$0x1C400] =	vst v63  }
0x46: {  	_ =	swait.ge [sflag:s13], $0x200  }
0x47: {  	[sflag:s13] =	ssyncset.done $0x0  }
0x48: {  	[sflag:s13] =	ssyncadd.s32 $0xFFFFFE00  }
0x49: {  	[tilespmem:s18], [sflag:$0x1] =	stream.indirect.gather [spmem:s3], $0x40, s15, s17, $0xb8;
	[tilespmem:$0x1C400] =	vst v63  }
0x4a: {  	_ = 	snop  }
0x4b: {  	[tilespmem:s20], [sflag:$0x2] =	stream.indirect.gather [spmem:s3], $0x40, s19, s17, $0xb8;
	[tilespmem:$0x1C400] =	vst v63  }
0x4c: {  	_ =	swait.ge [sflag:s21], $0x4000  }
0x4d: {  	[sflag:s21] =	ssyncset.done $0x0  }
0x4e: {  	[sflag:s21] =	ssyncadd.s32 $0xFFFFC000  }
0x4f: {  	[spmem:s2] =	stream.indirect.scatter.add.f32 [tilespmem:s18], [sflag:$0x3], $0x40, s16, s22, $0xb8;
	[tilespmem:$0x1C400] =	vst v63  }
0x50: {  	_ =	swait.ge [sflag:s13], $0x2000  }
0x51: {  	[sflag:s13] =	ssyncset.done $0x0  }
0x52: {  	[sflag:s13] =	ssyncadd.s32 $0xFFFFE000  }
0x53: {  	[spmem:s2] =	stream.indirect.scatter.add.f32 [tilespmem:s24], [sflag:$0x3], $0x40, s23, s22, $0xb8;
	[tilespmem:$0x1C400] =	vst v63  }
0x54: {  	_ =	swait.ge [sflag:s13], $0x2000  }
0x55: {  	[sflag:s13] =	ssyncset.done $0x0  }
0x56: {  	[sflag:s13] =	ssyncadd.s32 $0xFFFFE000  }
0x57: {  	_ =	swait.ge [sflag:s25], $0x4000  }
0x58: {  	[sflag:s25] =	ssyncset.done $0x0  }
0x59: {  	[sflag:s25] =	ssyncadd.s32 $0xFFFFC000  }
0x5a: {  	[spmem:s2] =	stream.indirect.scatter.add.f32 [tilespmem:s20], [sflag:$0x3], $0x40, s26, s22, $0xb8;
	[tilespmem:$0x1C400] =	vst v63  }
0x5b: {  	_ =	swait.ge [sflag:s13], $0x2000  }
.Ltmp0:
0x5c: {  	[sflag:s13] =	ssyncset.done $0x0;
	(pc) =	sbr.rel @p0 .LBB2_2-.Ltmp0, $4  }
0x5d: {  	[sflag:s13] =	ssyncadd.s32 $0xFFFFE000  }
0x5e: {  	[spmem:s2] =	stream.indirect.scatter.add.f32 [tilespmem:s29], [sflag:$0x3], $0x40, s28, s22, $0xb8;
	[tilespmem:$0x1C400] =	vst v63  }
0x5f: {  	_ =	swait.ge [sflag:s13], $0x2000  }
0x60: {  	s1 =	smov.u32 s0;
	[sflag:s13] =	ssyncset.done $0x0  }
0x61: {  	s0 =	sadd.s32 s31, s11;
	[sflag:s13] =	ssyncadd.s32 $0xFFFFE000  }
0x62: {  	[tilespmem:s15], [sflag:$0x3] =	stream.linear.gather [hbm4b:s0+s4], $0x200, $0x38;
	[tilespmem:$0x1C400] =	vst v63  }
0x63: {  	_ =	swait.ge [sflag:s13], $0x200  }
0x64: {  	[sflag:s13] =	ssyncset.done $0x0  }
0x65: {  	s31 =	sadd.s32 s31, s10;
	[sflag:s13] =	ssyncadd.s32 $0xFFFFFE00  }
0x66: {  	[tilespmem:s16], [sflag:$0x3] =	stream.linear.gather [hbm4b:s31+s4], $0x200, $0x38;
	[tilespmem:$0x1C400] =	vst v63  }
0x67: {  	_ =	swait.ge [sflag:s13], $0x200  }
0x68: {  	[sflag:s13] =	ssyncset.done $0x0  }
0x69: {  	[sflag:s13] =	ssyncadd.s32 $0xFFFFFE00  }
0x6a: {  	[tilespmem:s18], [sflag:$0x1] =	stream.indirect.gather [spmem:s3], $0x40, s15, s17, $0xb8;
	[tilespmem:$0x1C400] =	vst v63  }
0x6b: {  	_ = 	snop  }
0x6c: {  	[tilespmem:s20], [sflag:$0x2] =	stream.indirect.gather [spmem:s3], $0x40, s19, s17, $0xb8;
	[tilespmem:$0x1C400] =	vst v63  }
0x6d: {  	_ =	swait.ge [sflag:s21], $0x4000  }
0x6e: {  	[sflag:s21] =	ssyncset.done $0x0  }
0x6f: {  	[sflag:s21] =	ssyncadd.s32 $0xFFFFC000  }
0x70: {  	[spmem:s2] =	stream.indirect.scatter.add.f32 [tilespmem:s18], [sflag:$0x3], $0x40, s16, s22, $0xb8;
	[tilespmem:$0x1C400] =	vst v63  }
0x71: {  	_ =	swait.ge [sflag:s13], $0x2000  }
0x72: {  	[sflag:s13] =	ssyncset.done $0x0  }
0x73: {  	[sflag:s13] =	ssyncadd.s32 $0xFFFFE000  }
0x74: {  	[spmem:s2] =	stream.indirect.scatter.add.f32 [tilespmem:s24], [sflag:$0x3], $0x40, s23, s22, $0xb8;
	[tilespmem:$0x1C400] =	vst v63  }
0x75: {  	_ =	swait.ge [sflag:s13], $0x2000  }
0x76: {  	[sflag:s13] =	ssyncset.done $0x0  }
0x77: {  	[sflag:s13] =	ssyncadd.s32 $0xFFFFE000  }
0x78: {  	_ =	swait.ge [sflag:s25], $0x4000  }
0x79: {  	[sflag:s25] =	ssyncset.done $0x0  }
0x7a: {  	[sflag:s25] =	ssyncadd.s32 $0xFFFFC000  }
0x7b: {  	[spmem:s2] =	stream.indirect.scatter.add.f32 [tilespmem:s20], [sflag:$0x3], $0x40, s26, s22, $0xb8;
	[tilespmem:$0x1C400] =	vst v63  }
0x7c: {  	_ =	swait.ge [sflag:s13], $0x2000  }
0x7d: {  	[sflag:s13] =	ssyncset.done $0x0  }
0x7e: {  	[sflag:s13] =	ssyncadd.s32 $0xFFFFE000  }
0x7f: {  	[spmem:s2] =	stream.indirect.scatter.add.f32 [tilespmem:s29], [sflag:$0x3], $0x40, s28, s22, $0xb8;
	[tilespmem:$0x1C400] =	vst v63  }
0x80: {  	_ =	swait.ge [sflag:s13], $0x2000  }
0x81: {  	s30 =	sadd.s32 $0x1, s30;
	[sflag:s13] =	ssyncset.done $0x0  }
0x82: {  	p0 =	sne.s32 s30, s9;
	[sflag:s13] =	ssyncadd.s32 $0xFFFFE000  }
.Ltmp1:
0x83: {  	[bflag:$0x0] =	sbarrier.arrive $0xFFFF;
	(pc) =	sbr.rel @p0 .LBB2_1-.Ltmp1, $4  }
0x84: {  	[hbm:s8], [sflag:s6] =	dma.local [spmem:s12], $0x1400  }
0x85: {  	_ =	swait.ge [sflag:s13], $0x1400  }
0x86: {  	[sflag:s13] =	ssyncset.done $0x0  }
0x87: {  	[sflag:s13] =	ssyncadd.s32 $0xFFFFEC00  }
0x88: {  	_ =	sfence.sel $0x180000  }
0x89: {  	[bflag:$0x0] =	sbarrier.arrive $0xFFFF  }
0x8a: {  	_ =	strace $0x9000004A  }
0x8b: {  	s0 =	stileid.u32;
	[bflag:$0x2] =	sbarrier.arrive $0xFFFF  }
0x8c: {  	p0 =	sne.s32 s0, $0x0;
	s0 =	rddreg [dreg:$0x4]  }
0x8d: {  	s0 =	sadd.s32 @!p0 $0x100000, s0  }
0x8e: {  	[sflag:s0] =	ssyncadd.tile.s32 @!p0 $0x1;
	_ =	shalt  }
.Lfunc_end2:
_tile_overlayer_lowered:
.L_overlay_start_2:
0x8f: {  	(tag) =	ssettag $0x2  }
0x90: {  	s0 =	rddreg [dreg:$0x0];
	s2 =	stileid.u32  }
0x91: {  	s1 =	rddreg [dreg:$0x1];
	p0 =	sne.s32 s2, $0x0  }
0x92: {  	s3 =	rddreg [dreg:$0x2];
	[bflag:$0x3] =	sbarrier.arrive $0xFFFF;
	s2 =	simm.s32 @!p0 $0x1C03  }
0x93: {  	[timem:s3], [sflag:s2] =	dma.local @!p0 [hbm:s0], s1  }
0x94: {  	s0 =	simm.s32 @!p0 $0x3  }
0x95: {  	_ =	swait.ge @!p0 [sflag:s0], s1  }
0x96: {  	s1 =	ssub.s32 @!p0 $0x0, s1;
	[sflag:s0] =	ssyncset.done @!p0 $0x0  }
0x97: {  	[sflag:s0] =	ssyncadd.s32 @!p0 s1  }
0x98: {  	[bflag:$0x3] =	sbarrier.arrive $0xFFFF  }
0x99: {  	_ =	shalt  }

// kernel: kernel.7.cloned.1.call-start
scs
__scs_entry_jumppad:
0x0: {  	(pc) =	sbr.rel $0x88, $3  }
0x1: {  	(tag) =	ssettag $0x0;
	lr =	simm.s32 $0x1  }
0x2: {  	[smem:$0x3F99] =	sst lr;
	_ =	strace $0xD0000000  }
0x3: {  	_ = 	snop  }
0x4: {  	_ = 	snop  }
0x5: {  	_ = 	snop  }
0x6: {  	_ = 	snop  }
0x7: {  	_ = 	snop  }
__scs_overlays_trampoline_lowered:
0x8: {  	[smem:$0x3FA8] =	sst s0  }
0x9: {  	[smem:$0x3FA9] =	sst s1  }
0xa: {  	[smem:$0x3FAA] =	sst s2  }
0xb: {  	[smem:$0x3FAB] =	sst s3  }
0xc: {  	[smem:$0x3FAC] =	sst s4  }
0xd: {  	[smem:$0x3FAD] =	sst s5  }
0xe: {  	[smem:$0x3FAE] =	sst s6  }
0xf: {  	[smem:$0x3FAF] =	sst s7  }
0x10: {  	[smem:$0x3FB0] =	sst s8  }
0x11: {  	[smem:$0x3FB1] =	sst s9;
	s0 =	simm.s32 @!p0 $0x0  }
0x12: {  	s1 =	sld [smem:$0x3F97];
	s0 =	simm.s32 @p0 $0x1  }
0x13: {  	[smem:$0x3FB2] =	sst s0;
	s0 =	simm.s32 @!p1 $0x0  }
0x14: {  	s2 =	sld [smem:$0x3F96];
	s0 =	simm.s32 @p1 $0x1  }
0x15: {  	[smem:$0x3FB3] =	sst s0;
	s0 =	simm.s32 @!p2 $0x0  }
0x16: {  	s3 =	sld [smem:$0x3FDB];
	s0 =	simm.s32 @p2 $0x1  }
0x17: {  	s4 =	simm.s32 $0x1BF5;
	[smem:$0x3FB5] =	sst s0  }
0x18: {  	s0 =	sld [smem:$0x3F98];
	_ =	swait.ge [sflag:s4], $0x0  }
0x19: {  	s7 =	sld [smem:$0x3F99]  }
0x1a: {  	s8 =	sadd.s32 $0xFFFFE003, lr  }
0x1b: {  	s9 =	sadd.s32 $0xFFFFFEF7, lr;
	s5 =	simm.s32 $0xFFFFFFFF;
	p2 =	slt.u32 s8, $0xFFFFF086  }
0x1c: {  	p1 =	slt.u32 s9, $0xF7A;
	s5 =	simm.s32 @!p2 $0x0  }
0x1d: {  	s5 =	simm.s32 @p1 $0x1;
	p0 =	seq.s32 s7, s2  }
0x1e: {  	s7 =	smul.u32 @!p0 $0xF7A, s2;
	p2 =	seq.s32 @!p0 s5, $0x0  }
0x1f: {  	s9 =	smul.u32 $0xF7A, s1;
	s8 =	simm.s32 @!p0 $0x1BF5;
	p2 =	por !p2, p0  }
0x20: {  	[sflag:s8] =	ssyncset.s32 @!p0 $0xFFFFF086;
	s6 =	sadd.s32 @!p0 s3, s7;
	s7 =	simm.s32 @!p0 $0x108  }
0x21: {  	s3 =	sadd.s32 s3, s9;
	s6 =	sadd.s32 @!p0 $0x88, s6;
	s7 =	simm.s32 @p2 $0x1082  }
0x22: {  	[simem:s7], [sflag:s8] =	dma.local @!p0 [hbm:s6], $0xF7A  }
0x23: {  	s9 =	sor.u32 $0xD0000000, s2;
	s6 =	simm.s32 $0x108;
	_ =	swait.ge @!p0 [sflag:s8], $0x0  }
0x24: {  	s3 =	sadd.s32 $0x88, s3;
	s6 =	simm.s32 @!p1 $0x1082;
	[sflag:s4] =	ssyncset.s32 $0xFFFFF086  }
0x25: {  	[simem:s6], [sflag:s4] =	dma.local [hbm:s3], $0xF7A  }
0x26: {  	[smem:$0x3F99] =	sst s1;
	(tag) =	ssettag s2;
	_ =	strace s9  }
0x27: {  	s1 =	sld [smem:$0x3FA9]  }
0x28: {  	s2 =	sld [smem:$0x3FAA]  }
0x29: {  	s4 =	sld [smem:$0x3FAC]  }
0x2a: {  	p0 =	seq.s32 s5, $0x0;
	s5 =	sld [smem:$0x3FAD]  }
0x2b: {  	s6 =	sld [smem:$0x3FAE]  }
0x2c: {  	s7 =	sld [smem:$0x3FAF]  }
0x2d: {  	s3 =	simm.s32 $0x108;
	s8 =	sld [smem:$0x3FB0]  }
0x2e: {  	s3 =	simm.s32 @!p0 $0x1082;
	s9 =	sld [smem:$0x3FB1]  }
0x2f: {  	lr =	sadd.s32 s0, s3;
	s0 =	sld [smem:$0x3FA8]  }
0x30: {  	s3 =	sld [smem:$0x3FAB]  }
0x31: {  	[smem:$0x3FB4] =	sst s10  }
0x32: {  	s10 =	sld [smem:$0x3FB2];
	_ =	sdelay $0x3  }
0x33: {  	p0 =	seq.s32 s10, $0x1;
	s10 =	sld [smem:$0x3FB4];
	_ =	sdelay $0x3  }
0x34: {  	[smem:$0x3FB4] =	sst s10  }
0x35: {  	s10 =	sld [smem:$0x3FB3];
	_ =	sdelay $0x3  }
0x36: {  	p1 =	seq.s32 s10, $0x1;
	s10 =	sld [smem:$0x3FB4];
	_ =	sdelay $0x3  }
0x37: {  	[smem:$0x3FB4] =	sst s10  }
0x38: {  	s10 =	sld [smem:$0x3FB5]  }
0x39: {  	_ = 	snop;
	(pc) =	sbr.ind lr, $3  }
0x3a: {  	_ = 	snop  }
0x3b: {  	_ = 	snop  }
0x3c: {  	p2 =	seq.s32 s10, $0x1;
	s10 =	sld [smem:$0x3FB4]  }
0x3d: {  	_ =	shalt  }
0x3e: {  	_ =	shalt  }
0x3f: {  	_ =	shalt  }
0x40: {  	_ =	shalt  }
0x41: {  	_ =	shalt  }
0x42: {  	_ =	shalt  }
0x43: {  	_ =	shalt  }
0x44: {  	_ =	shalt  }
0x45: {  	_ =	shalt  }
0x46: {  	_ =	shalt  }
0x47: {  	_ =	shalt  }
0x48: {  	_ =	shalt  }
0x49: {  	_ =	shalt  }
0x4a: {  	_ =	shalt  }
0x4b: {  	_ =	shalt  }
0x4c: {  	_ =	shalt  }
0x4d: {  	_ =	shalt  }
0x4e: {  	_ =	shalt  }
0x4f: {  	_ =	shalt  }
0x50: {  	_ =	shalt  }
0x51: {  	_ =	shalt  }
0x52: {  	_ =	shalt  }
0x53: {  	_ =	shalt  }
0x54: {  	_ =	shalt  }
0x55: {  	_ =	shalt  }
0x56: {  	_ =	shalt  }
0x57: {  	_ =	shalt  }
0x58: {  	_ =	shalt  }
0x59: {  	_ =	shalt  }
0x5a: {  	_ =	shalt  }
0x5b: {  	_ =	shalt  }
0x5c: {  	_ =	shalt  }
0x5d: {  	_ =	shalt  }
0x5e: {  	_ =	shalt  }
0x5f: {  	_ =	shalt  }
0x60: {  	_ =	shalt  }
0x61: {  	_ =	shalt  }
0x62: {  	_ =	shalt  }
0x63: {  	_ =	shalt  }
0x64: {  	_ =	shalt  }
0x65: {  	_ =	shalt  }
0x66: {  	_ =	shalt  }
0x67: {  	_ =	shalt  }
0x68: {  	_ =	shalt  }
0x69: {  	_ =	shalt  }
0x6a: {  	_ =	shalt  }
0x6b: {  	_ =	shalt  }
0x6c: {  	_ =	shalt  }
0x6d: {  	_ =	shalt  }
0x6e: {  	_ =	shalt  }
0x6f: {  	_ =	shalt  }
0x70: {  	_ =	shalt  }
0x71: {  	_ =	shalt  }
0x72: {  	_ =	shalt  }
0x73: {  	_ =	shalt  }
0x74: {  	_ =	shalt  }
0x75: {  	_ =	shalt  }
0x76: {  	_ =	shalt  }
0x77: {  	_ =	shalt  }
0x78: {  	_ =	shalt  }
0x79: {  	_ =	shalt  }
0x7a: {  	_ =	shalt  }
0x7b: {  	_ =	shalt  }
0x7c: {  	_ =	shalt  }
0x7d: {  	_ =	shalt  }
0x7e: {  	_ =	shalt  }
0x7f: {  	_ =	shalt  }
0x80: {  	_ =	shalt  }
0x81: {  	_ =	shalt  }
0x82: {  	_ =	shalt  }
0x83: {  	_ =	shalt  }
0x84: {  	_ =	shalt  }
0x85: {  	_ =	shalt  }
0x86: {  	_ =	shalt  }
0x87: {  	_ =	shalt  }
.Lfunc_end0:
.L_simem_size_0:
called_computation_lowered:
.L_overlay_start_0:
0x88: {  	s2 =	sld [smem:$0x3FD9]  }
0x89: {  	s3 =	sld [smem:$0x3FFE];
	_ =	sdelay $0x1  }
0x8a: {  	s1 =	srdreg.scid  }
0x8b: {  	s0 =	sand.u32 $0x1, s1  }
0x8c: {  	s17 =	sshll.u32 s0, $0xA;
	s2 =	sadd.s32 s3, s2  }
0x8d: {  	s2 =	sadd.s32 s2, s17  }
0x8e: {  	[smem:$0x3FC0] =	sst s2  }
0x8f: {  	_ = 	snop  }
0x90: {  	s2 =	sld [smem:$0x3FD0];
	(tm) =	ssettm $0x1  }
0x91: {  	s18 =	sld [smem:$0x3FFB];
	_ =	sdelay $0x3  }
0x92: {  	_ =	strace s18  }
0x93: {  	s3 =	sld [smem:$0x3FFC];
	_ =	sdelay $0x3  }
0x94: {  	_ =	strace s3  }
0x95: {  	s3 =	sld [smem:$0x3FFD];
	_ =	sdelay $0x3  }
0x96: {  	_ =	strace s3  }
0x97: {  	_ =	strace $0x8FFFFFFF  }
0x98: {  	s19 =	sld [smem:$0x3FDB];
	_ =	sdelay $0x1  }
0x99: {  	s4 =	simm.s32 $_scs_section_size  }
0x9a: {  	s5 =	simm.s32 $_size__tile_overlayer_lowered;
	s6 =	simm.s32 $_tile_overlayer_lowered  }
0x9b: {  	s22 =	simm.s32 $0x1BFF;
	s21 =	sshll.u32 s6, $0x1;
	s3 =	sadd.s32 s4, s19  }
0x9c: {  	s7 =	simm.s32 $0x0;
	s20 =	sshll.u32 s5, $0x1;
	s5 =	sadd.s32 s21, s3  }
0x9d: {  	[timem:s7], [sflag:s22] =	dma.local [hbm:s5], s20  }
0x9e: {  	_ =	swait.ge [sflag:s22], s20  }
0x9f: {  	s4 =	ssub.s32 $0x0, s20;
	[sflag:s22] =	ssyncset.done $0x0  }
0xa0: {  	[sflag:s22] =	ssyncadd.s32 s4;
	_ =	sdelay $0x1  }
0xa1: {  	s23 =	simm.s32 $0x1B8B  }
0xa2: {  	_ =	swait.ge [sflag:s23], $0x1  }
0xa3: {  	[sflag:s23] =	ssyncset.done $0x0  }
0xa4: {  	s25 =	simm.s32 $0x1B8E;
	s24 =	sld [smem:$0x3FFE];
	[sflag:s23] =	ssyncadd.s32 $0xFFFFFFFF  }
0xa5: {  	s26 =	simm.s32 $execute0_lowered;
	[smem:$0x3FD2] =	sst s25  }
0xa6: {  	s5 =	sshll.u32 s26, $0x1;
	_ =	strace $0x80000046;
	[dreg:$0x1] =	wrdreg $0xFFFFFFFF  }
0xa7: {  	s28 =	simm.s32 $_size_execute0_lowered;
	s3 =	sadd.s32 s3, s5;
	[dreg:$0x0] =	wrdreg $0x0  }
0xa8: {  	s5 =	sshll.u32 s28, $0x1;
	[dreg:$0x2] =	wrdreg s3  }
0xa9: {  	[dreg:$0x3] =	wrdreg s5  }
0xaa: {  	[dreg:$0x4] =	wrdreg $0xC0  }
0xab: {  	_ =	task [dreg:s7], $0x5FFFF  }
0xac: {  	[dreg:$0x1] =	wrdreg $0xFFFFFFFF  }
0xad: {  	[dreg:$0x0] =	wrdreg $0x60  }
0xae: {  	[dreg:$0x2] =	wrdreg s2  }
0xaf: {  	[dreg:$0x3] =	wrdreg s24  }
0xb0: {  	[dreg:$0x4] =	wrdreg $0x0  }
0xb1: {  	[dreg:$0x5] =	wrdreg $0xA0000  }
0xb2: {  	[dreg:$0x6] =	wrdreg $0x1C4000  }
0xb3: {  	[dreg:$0x7] =	wrdreg $0x9  }
0xb4: {  	_ =	task.clear_ibuf [dreg:s7], $0x8FFFF;
	_ =	strace $0x90000046  }
0xb5: {  	s29 =	simm.s32 $0x9;
	_ =	strace $0x80000048  }
0xb6: {  	_ =	swait.ge [sflag:s29], $0x1  }
0xb7: {  	[sflag:s29] =	ssyncadd.s32 $0xFFFFFFFF  }
0xb8: {  	_ =	strace $0x90000048  }
0xb9: {  	_ =	sfence  }
0xba: {  	s30 =	sld [smem:$0x0];
	_ =	sdelay $0x2  }
0xbb: {  	s31 =	sshll.u32 s1, $0xD;
	s1 =	sshrl.u32 s1, $0x2  }
0xbc: {  	s3 =	sand.u32 $0x4000, s31;
	s1 =	sadd.s32 s1, s30  }
0xbd: {  	s0 =	sor.u32 s3, s0;
	s1 =	sshll.u32 s1, $0x11  }
0xbe: {  	s0 =	sor.u32 s1, s0  }
0xbf: {  	s0 =	sadd.s32 $0x8F2B, s0  }
0xc0: {  	[sflag:s0] =	ssyncadd.remote.s32 $0x1  }
0xc1: {  	_ =	sfence.sel $0xFFFF  }
0xc2: {  	[dreg:$0x0] =	wrdreg $0xFFFFFFFF;
	(pc) =	sbr.abs _section_cstart, $3  }
0xc3: {  	[dreg:$0x1] =	wrdreg $0xFFFFFFFF  }
0xc4: {  	_ =	task.clear_ibuf [dreg:s7], $0x2FFFF;
	_ =	strace $0x9FFFFFFF  }
0xc5: {  	(tm) =	ssettm $0x7FFFFFFF  }
tec
execute0_lowered:
.L_overlay_start_1:
0x0: {  	(tag) =	ssettag $0x1  }
0x1: {  	s1 =	rddreg [dreg:$0x0]  }
0x2: {  	s2 =	rddreg [dreg:$0x1]  }
0x3: {  	s0 =	rddreg [dreg:$0x2]  }
0x4: {  	s3 =	rddreg [dreg:$0x3]  }
0x5: {  	s5 =	srdreg.scid;
	s16 =	stileid.u32  }
0x6: {  	s4 =	rddreg [dreg:$0x4];
	s28 =	simm.s32 $0x1;
	s8 =	smul.u32 $0x5000, s16  }
0x7: {  	s29 =	simm.s32 $0x80;
	s30 =	simm.s32 $0x14280;
	s9 =	smul.u32 $0xA000, s16  }
0x8: {  	s31 =	simm.s32 $0x16400;
	s6 =	sand.u32 $0x1, s5;
	s10 =	smul.u32 $0x1400, s16  }
0x9: {  	s5 =	simm.s32 $0x0;
	s12 =	smul.u32 $0x280, s16;
	s18 =	sadd.s32 $0x15400, s2  }
0xa: {  	s21 =	sshll.u32 s16, $0x6;
	s7 =	smul.u32 $0x2800, s6;
	[smem:$0x7FF] =	sst s5  }
0xb: {  	s6 =	ssub.s32 $0x2, s6;
	_ =	strace $0x80000047;
	s11 =	sshrl.u32 s9, $0x3  }
0xc: {  	s13 =	sshrl.u32 s10, $0x3;
	[dreg:$0x6] =	wrdreg s18;
	s14 =	sshrl.u32 s6, $0x1  }
0xd: {  	s20 =	sadd.s32 s9, s0;
	s9 =	sadd.s32 s9, s3;
	s22 =	sadd.s32 s10, s4  }
0xe: {  	s8 =	sadd.s32 s7, s8;
	s17 =	sadd.s32 s11, s2;
	s13 =	sadd.s32 s13, s2  }
0xf: {  	s7 =	sadd.s32 s12, s7;
	s6 =	ssub.s32 s6, s14;
	s1 =	sadd.s32 s1, s11  }
0x10: {  	s16 =	sshrl.u32 s20, $0x3;
	s26 =	sshrl.u32 s9, $0x3;
	s20 =	simm.s32 $0x1D800  }
0x11: {  	s9 =	simm.s32 $0x0;
	s8 =	sshrl.u32 s8, $0x3;
	s19 =	sshll.u32 s7, $0x3  }
0x12: {  	[dreg:$0x8] =	wrdreg s1;
	s23 =	sadd.s32 $0x15600, s13;
	s25 =	smax.u32 s6, $0x1  }
0x13: {  	[dreg:$0xd] =	wrdreg s26;
	s26 =	simm.s32 $0x18400;
	s1 =	simm.s32 $0x2  }
0x14: {  	s6 =	simm.s32 $0x14380;
	s15 =	sadd.s32 s8, s2;
	s12 =	sadd.s32 s19, s2  }
0x15: {  	s2 =	sadd.s32 s7, s2;
	s8 =	sadd.s32 $0x17E00, s17;
	[dreg:$0x9] =	wrdreg s23  }
0x16: {  	[dreg:$0xc] =	wrdreg s25;
	s17 =	simm.s32 $0x3;
	s19 =	sshrl.u32 s22, $0x3  }
0x17: {  	s22 =	simm.s32 $0x14200;
	s23 =	simm.s32 $0x100;
	s25 =	simm.s32 $0x14100  }
0x18: {  	s7 =	simm.s32 $0x1A400;
	[dreg:$0x7] =	wrdreg s8;
	s8 =	sor.u32 $0x1C03, s21  }
0x19: {  	s24 =	sadd.s32 $0x2BE00, s12;
	s2 =	sadd.s32 $0x53E00, s2;
	s14 =	sadd.s32 $0x1400, s15  }
0x1a: {  	s15 =	sadd.s32 $0xB400, s15;
	s21 =	simm.s32 $0x14000;
	[dreg:$0xa] =	wrdreg s24  }
0x1b: {  	[dreg:$0xb] =	wrdreg s2;
	s24 =	simm.s32 $0x14400;
	s2 =	simm.s32 $0x14300  }
.LBB2_1:
0x1c: {  	s10 =	rddreg [dreg:$0x7]  }
0x1d: {  	[spmem:s16], [sflag:s8] =	dma.local [hbm:s10], $0x1400  }
0x1e: {  	_ =	swait.ge [sflag:s17], $0x1400  }
0x1f: {  	[sflag:s17] =	ssyncset.done $0x0;
	s18 =	rddreg [dreg:$0x8]  }
0x20: {  	s11 =	rddreg [dreg:$0xd];
	[sflag:s17] =	ssyncadd.s32 $0xFFFFEC00  }
0x21: {  	[spmem:s11], [sflag:s8] =	dma.local [hbm:s18], $0x1400  }
0x22: {  	_ =	swait.ge [sflag:s17], $0x1400  }
0x23: {  	[sflag:s17] =	ssyncset.done $0x0  }
0x24: {  	s11 =	rddreg [dreg:$0x9];
	[sflag:s17] =	ssyncadd.s32 $0xFFFFEC00  }
0x25: {  	[spmem:s19], [sflag:s8] =	dma.local [hbm:s11], $0x280  }
0x26: {  	_ =	swait.ge [sflag:s17], $0x280  }
0x27: {  	[sflag:s17] =	ssyncset.done $0x0  }
0x28: {  	s12 =	rddreg [dreg:$0x6];
	[sflag:s17] =	ssyncadd.s32 $0xFFFFFD80  }
0x29: {  	[tilespmem:s20], [sflag:$0x3] =	stream.linear.gather [hbm4b:s12+s5], $0x400, $0x38;
	[tilespmem:$0x1DC00] =	vst v63  }
0x2a: {  	_ =	swait.ge [sflag:s17], $0x400  }
0x2b: {  	[sflag:s17] =	ssyncset.done $0x0  }
0x2c: {  	[sflag:s17] =	ssyncadd.s32 $0xFFFFFC00  }
0x2d: {  	s13 =	sadd.s32 $0x0, s15;
	[bflag:$0x0] =	sbarrier.arrive $0xFFFF  }
0x2e: {  	[tilespmem:s21], [sflag:$0x3] =	stream.linear.gather [hbm4b:s13+s5], $0x200, $0x38;
	[tilespmem:$0x1DC00] =	vst v63  }
0x2f: {  	_ =	swait.ge [sflag:s17], $0x200  }
0x30: {  	[sflag:s17] =	ssyncset.done $0x0  }
0x31: {  	s18 =	sadd.s32 $0x0, s14;
	[sflag:s17] =	ssyncadd.s32 $0xFFFFFE00  }
0x32: {  	[tilespmem:s22], [sflag:$0x3] =	stream.linear.gather [hbm4b:s18+s5], $0x200, $0x38;
	[tilespmem:$0x1DC00] =	vst v63  }
0x33: {  	_ =	swait.ge [sflag:s17], $0x200  }
0x34: {  	[sflag:s17] =	ssyncset.done $0x0  }
0x35: {  	[sflag:s17] =	ssyncadd.s32 $0xFFFFFE00  }
0x36: {  	[tilespmem:s24], [sflag:$0x1] =	stream.indirect.gather [spmem:s3], $0x40, s21, s23, $0xb8;
	[tilespmem:$0x1DC00] =	vst v63  }
0x37: {  	_ = 	snop  }
0x38: {  	[tilespmem:s26], [sflag:$0x2] =	stream.indirect.gather [spmem:s3], $0x40, s25, s23, $0xb8;
	[tilespmem:$0x1DC00] =	vst v63  }
0x39: {  	_ =	swait.ge [sflag:s28], $0x4000  }
0x3a: {  	[sflag:s28] =	ssyncset.done $0x0  }
0x3b: {  	[sflag:s28] =	ssyncadd.s32 $0xFFFFC000  }
0x3c: {  	[spmem:s0] =	stream.indirect.scatter.add.f32 [tilespmem:s24], [sflag:$0x3], $0x40, s22, s29, $0xb8;
	[tilespmem:$0x1DC00] =	vst v63  }
0x3d: {  	_ =	swait.ge [sflag:s17], $0x2000  }
0x3e: {  	[sflag:s17] =	ssyncset.done $0x0  }
0x3f: {  	[sflag:s17] =	ssyncadd.s32 $0xFFFFE000  }
0x40: {  	[spmem:s4] =	stream.indirect.scatter.add.f32 [tilespmem:s20], [sflag:$0x3], $0x8, s22, s29, $0xb8;
	[tilespmem:$0x1DC00] =	vst v63  }
0x41: {  	_ =	swait.ge [sflag:s17], $0x400  }
0x42: {  	[sflag:s17] =	ssyncset.done $0x0  }
0x43: {  	[sflag:s17] =	ssyncadd.s32 $0xFFFFFC00  }
0x44: {  	[spmem:s0] =	stream.indirect.scatter.add.f32 [tilespmem:s31], [sflag:$0x3], $0x40, s30, s29, $0xb8;
	[tilespmem:$0x1DC00] =	vst v63  }
0x45: {  	_ =	swait.ge [sflag:s17], $0x2000  }
0x46: {  	[sflag:s17] =	ssyncset.done $0x0  }
0x47: {  	[sflag:s17] =	ssyncadd.s32 $0xFFFFE000  }
0x48: {  	[spmem:s4] =	stream.indirect.scatter.add.f32 [tilespmem:s20], [sflag:$0x3], $0x8, s30, s29, $0xb8;
	[tilespmem:$0x1DC00] =	vst v63  }
0x49: {  	_ =	swait.ge [sflag:s17], $0x400  }
0x4a: {  	[sflag:s17] =	ssyncset.done $0x0  }
0x4b: {  	[sflag:s17] =	ssyncadd.s32 $0xFFFFFC00  }
0x4c: {  	_ =	swait.ge [sflag:s1], $0x4000  }
0x4d: {  	[sflag:s1] =	ssyncset.done $0x0  }
0x4e: {  	[sflag:s1] =	ssyncadd.s32 $0xFFFFC000  }
0x4f: {  	[spmem:s0] =	stream.indirect.scatter.add.f32 [tilespmem:s26], [sflag:$0x3], $0x40, s2, s29, $0xb8;
	[tilespmem:$0x1DC00] =	vst v63  }
0x50: {  	_ =	swait.ge [sflag:s17], $0x2000  }
0x51: {  	[sflag:s17] =	ssyncset.done $0x0  }
0x52: {  	[sflag:s17] =	ssyncadd.s32 $0xFFFFE000  }
0x53: {  	[spmem:s4] =	stream.indirect.scatter.add.f32 [tilespmem:s20], [sflag:$0x3], $0x8, s2, s29, $0xb8;
	[tilespmem:$0x1DC00] =	vst v63  }
0x54: {  	_ =	swait.ge [sflag:s17], $0x400  }
0x55: {  	[sflag:s17] =	ssyncset.done $0x0  }
0x56: {  	[sflag:s17] =	ssyncadd.s32 $0xFFFFFC00  }
0x57: {  	[spmem:s0] =	stream.indirect.scatter.add.f32 [tilespmem:s7], [sflag:$0x3], $0x40, s6, s29, $0xb8;
	[tilespmem:$0x1DC00] =	vst v63  }
0x58: {  	_ =	swait.ge [sflag:s17], $0x2000  }
0x59: {  	[sflag:s17] =	ssyncset.done $0x0  }
0x5a: {  	[sflag:s17] =	ssyncadd.s32 $0xFFFFE000  }
0x5b: {  	[spmem:s4] =	stream.indirect.scatter.add.f32 [tilespmem:s20], [sflag:$0x3], $0x8, s6, s29, $0xb8;
	[tilespmem:$0x1DC00] =	vst v63  }
0x5c: {  	_ =	swait.ge [sflag:s17], $0x400  }
0x5d: {  	s10 =	simm.s32 $0x40;
	s11 =	simm.s32 $0x80;
	[sflag:s17] =	ssyncset.done $0x0  }
.LBB2_2:
0x5e: {  	s13 =	sadd.s32 s10, s15  }
0x5f: {  	[sflag:s17] =	ssyncadd.s32 $0xFFFFFC00;
	s18 =	smov.u32 s11;
	s12 =	sadd.s32 $0x40, s11  }
0x60: {  	[tilespmem:s21], [sflag:$0x3] =	stream.linear.gather [hbm4b:s13+s5], $0x200, $0x38;
	[tilespmem:$0x1DC00] =	vst v63  }
0x61: {  	p0 =	sne.s32 s11, $0x4C0;
	_ =	swait.ge [sflag:s17], $0x200  }
0x62: {  	[sflag:s17] =	ssyncset.done $0x0  }
0x63: {  	s11 =	sadd.s32 s10, s14;
	s10 =	smov.u32 s18;
	[sflag:s17] =	ssyncadd.s32 $0xFFFFFE00  }
0x64: {  	[tilespmem:s22], [sflag:$0x3] =	stream.linear.gather [hbm4b:s11+s5], $0x200, $0x38;
	[tilespmem:$0x1DC00] =	vst v63  }
0x65: {  	_ =	swait.ge [sflag:s17], $0x200  }
0x66: {  	[sflag:s17] =	ssyncset.done $0x0  }
0x67: {  	[sflag:s17] =	ssyncadd.s32 $0xFFFFFE00  }
0x68: {  	[tilespmem:s24], [sflag:$0x1] =	stream.indirect.gather [spmem:s3], $0x40, s21, s23, $0xb8;
	[tilespmem:$0x1DC00] =	vst v63  }
0x69: {  	_ = 	snop  }
0x6a: {  	[tilespmem:s26], [sflag:$0x2] =	stream.indirect.gather [spmem:s3], $0x40, s25, s23, $0xb8;
	[tilespmem:$0x1DC00] =	vst v63  }
0x6b: {  	_ =	swait.ge [sflag:s28], $0x4000  }
0x6c: {  	[sflag:s28] =	ssyncset.done $0x0  }
0x6d: {  	[sflag:s28] =	ssyncadd.s32 $0xFFFFC000  }
0x6e: {  	[spmem:s0] =	stream.indirect.scatter.add.f32 [tilespmem:s24], [sflag:$0x3], $0x40, s22, s29, $0xb8;
	[tilespmem:$0x1DC00] =	vst v63  }
0x6f: {  	_ =	swait.ge [sflag:s17], $0x2000  }
0x70: {  	[sflag:s17] =	ssyncset.done $0x0  }
0x71: {  	[sflag:s17] =	ssyncadd.s32 $0xFFFFE000  }
0x72: {  	[spmem:s4] =	stream.indirect.scatter.add.f32 [tilespmem:s20], [sflag:$0x3], $0x8, s22, s29, $0xb8;
	[tilespmem:$0x1DC00] =	vst v63  }
0x73: {  	_ =	swait.ge [sflag:s17], $0x400  }
0x74: {  	[sflag:s17] =	ssyncset.done $0x0  }
0x75: {  	[sflag:s17] =	ssyncadd.s32 $0xFFFFFC00  }
0x76: {  	[spmem:s0] =	stream.indirect.scatter.add.f32 [tilespmem:s31], [sflag:$0x3], $0x40, s30, s29, $0xb8;
	[tilespmem:$0x1DC00] =	vst v63  }
0x77: {  	_ =	swait.ge [sflag:s17], $0x2000  }
0x78: {  	[sflag:s17] =	ssyncset.done $0x0  }
0x79: {  	[sflag:s17] =	ssyncadd.s32 $0xFFFFE000  }
0x7a: {  	[spmem:s4] =	stream.indirect.scatter.add.f32 [tilespmem:s20], [sflag:$0x3], $0x8, s30, s29, $0xb8;
	[tilespmem:$0x1DC00] =	vst v63  }
0x7b: {  	_ =	swait.ge [sflag:s17], $0x400  }
0x7c: {  	[sflag:s17] =	ssyncset.done $0x0  }
0x7d: {  	[sflag:s17] =	ssyncadd.s32 $0xFFFFFC00  }
0x7e: {  	_ =	swait.ge [sflag:s1], $0x4000  }
0x7f: {  	[sflag:s1] =	ssyncset.done $0x0  }
0x80: {  	[sflag:s1] =	ssyncadd.s32 $0xFFFFC000  }
0x81: {  	[spmem:s0] =	stream.indirect.scatter.add.f32 [tilespmem:s26], [sflag:$0x3], $0x40, s2, s29, $0xb8;
	[tilespmem:$0x1DC00] =	vst v63  }
0x82: {  	_ =	swait.ge [sflag:s17], $0x2000  }
0x83: {  	[sflag:s17] =	ssyncset.done $0x0  }
0x84: {  	[sflag:s17] =	ssyncadd.s32 $0xFFFFE000  }
0x85: {  	[spmem:s4] =	stream.indirect.scatter.add.f32 [tilespmem:s20], [sflag:$0x3], $0x8, s2, s29, $0xb8;
	[tilespmem:$0x1DC00] =	vst v63  }
0x86: {  	_ =	swait.ge [sflag:s17], $0x400  }
0x87: {  	[sflag:s17] =	ssyncset.done $0x0  }
0x88: {  	[sflag:s17] =	ssyncadd.s32 $0xFFFFFC00  }
0x89: {  	[spmem:s0] =	stream.indirect.scatter.add.f32 [tilespmem:s7], [sflag:$0x3], $0x40, s6, s29, $0xb8;
	[tilespmem:$0x1DC00] =	vst v63  }
0x8a: {  	_ =	swait.ge [sflag:s17], $0x2000  }
.Ltmp0:
0x8b: {  	[sflag:s17] =	ssyncset.done $0x0;
	(pc) =	sbr.rel @p0 .LBB2_2-.Ltmp0, $4  }
0x8c: {  	[sflag:s17] =	ssyncadd.s32 $0xFFFFE000  }
0x8d: {  	[spmem:s4] =	stream.indirect.scatter.add.f32 [tilespmem:s20], [sflag:$0x3], $0x8, s6, s29, $0xb8;
	[tilespmem:$0x1DC00] =	vst v63  }
0x8e: {  	_ =	swait.ge [sflag:s17], $0x400  }
0x8f: {  	s11 =	smov.u32 s12;
	[sflag:s17] =	ssyncset.done $0x0  }
0x90: {  	s11 =	sadd.s32 s10, s15;
	[sflag:s17] =	ssyncadd.s32 $0xFFFFFC00  }
0x91: {  	[tilespmem:s21], [sflag:$0x3] =	stream.linear.gather [hbm4b:s11+s5], $0x200, $0x38;
	[tilespmem:$0x1DC00] =	vst v63  }
0x92: {  	_ =	swait.ge [sflag:s17], $0x200  }
0x93: {  	[sflag:s17] =	ssyncset.done $0x0  }
0x94: {  	s11 =	sadd.s32 s10, s14;
	[sflag:s17] =	ssyncadd.s32 $0xFFFFFE00  }
0x95: {  	[tilespmem:s22], [sflag:$0x3] =	stream.linear.gather [hbm4b:s11+s5], $0x200, $0x38;
	[tilespmem:$0x1DC00] =	vst v63  }
0x96: {  	_ =	swait.ge [sflag:s17], $0x200  }
0x97: {  	[sflag:s17] =	ssyncset.done $0x0  }
0x98: {  	[sflag:s17] =	ssyncadd.s32 $0xFFFFFE00  }
0x99: {  	[tilespmem:s24], [sflag:$0x1] =	stream.indirect.gather [spmem:s3], $0x40, s21, s23, $0xb8;
	[tilespmem:$0x1DC00] =	vst v63  }
0x9a: {  	_ = 	snop  }
0x9b: {  	[tilespmem:s26], [sflag:$0x2] =	stream.indirect.gather [spmem:s3], $0x40, s25, s23, $0xb8;
	[tilespmem:$0x1DC00] =	vst v63  }
0x9c: {  	_ =	swait.ge [sflag:s28], $0x4000  }
0x9d: {  	[sflag:s28] =	ssyncset.done $0x0  }
0x9e: {  	[sflag:s28] =	ssyncadd.s32 $0xFFFFC000  }
0x9f: {  	[spmem:s0] =	stream.indirect.scatter.add.f32 [tilespmem:s24], [sflag:$0x3], $0x40, s22, s29, $0xb8;
	[tilespmem:$0x1DC00] =	vst v63  }
0xa0: {  	_ =	swait.ge [sflag:s17], $0x2000  }
0xa1: {  	[sflag:s17] =	ssyncset.done $0x0  }
0xa2: {  	[sflag:s17] =	ssyncadd.s32 $0xFFFFE000  }
0xa3: {  	[spmem:s4] =	stream.indirect.scatter.add.f32 [tilespmem:s20], [sflag:$0x3], $0x8, s22, s29, $0xb8;
	[tilespmem:$0x1DC00] =	vst v63  }
0xa4: {  	_ =	swait.ge [sflag:s17], $0x400  }
0xa5: {  	[sflag:s17] =	ssyncset.done $0x0  }
0xa6: {  	[sflag:s17] =	ssyncadd.s32 $0xFFFFFC00  }
0xa7: {  	[spmem:s0] =	stream.indirect.scatter.add.f32 [tilespmem:s31], [sflag:$0x3], $0x40, s30, s29, $0xb8;
	[tilespmem:$0x1DC00] =	vst v63  }
0xa8: {  	_ =	swait.ge [sflag:s17], $0x2000  }
0xa9: {  	[sflag:s17] =	ssyncset.done $0x0  }
0xaa: {  	[sflag:s17] =	ssyncadd.s32 $0xFFFFE000  }
0xab: {  	[spmem:s4] =	stream.indirect.scatter.add.f32 [tilespmem:s20], [sflag:$0x3], $0x8, s30, s29, $0xb8;
	[tilespmem:$0x1DC00] =	vst v63  }
0xac: {  	_ =	swait.ge [sflag:s17], $0x400  }
0xad: {  	[sflag:s17] =	ssyncset.done $0x0  }
0xae: {  	[sflag:s17] =	ssyncadd.s32 $0xFFFFFC00  }
0xaf: {  	_ =	swait.ge [sflag:s1], $0x4000  }
0xb0: {  	[sflag:s1] =	ssyncset.done $0x0  }
0xb1: {  	[sflag:s1] =	ssyncadd.s32 $0xFFFFC000  }
0xb2: {  	[spmem:s0] =	stream.indirect.scatter.add.f32 [tilespmem:s26], [sflag:$0x3], $0x40, s2, s29, $0xb8;
	[tilespmem:$0x1DC00] =	vst v63  }
0xb3: {  	_ =	swait.ge [sflag:s17], $0x2000  }
0xb4: {  	[sflag:s17] =	ssyncset.done $0x0  }
0xb5: {  	[sflag:s17] =	ssyncadd.s32 $0xFFFFE000  }
0xb6: {  	[spmem:s4] =	stream.indirect.scatter.add.f32 [tilespmem:s20], [sflag:$0x3], $0x8, s2, s29, $0xb8;
	[tilespmem:$0x1DC00] =	vst v63  }
0xb7: {  	_ =	swait.ge [sflag:s17], $0x400  }
0xb8: {  	[sflag:s17] =	ssyncset.done $0x0  }
0xb9: {  	[sflag:s17] =	ssyncadd.s32 $0xFFFFFC00  }
0xba: {  	[spmem:s0] =	stream.indirect.scatter.add.f32 [tilespmem:s7], [sflag:$0x3], $0x40, s6, s29, $0xb8;
	[tilespmem:$0x1DC00] =	vst v63  }
0xbb: {  	_ =	swait.ge [sflag:s17], $0x2000  }
0xbc: {  	[sflag:s17] =	ssyncset.done $0x0  }
0xbd: {  	[sflag:s17] =	ssyncadd.s32 $0xFFFFE000  }
0xbe: {  	[spmem:s4] =	stream.indirect.scatter.add.f32 [tilespmem:s20], [sflag:$0x3], $0x8, s6, s29, $0xb8;
	[tilespmem:$0x1DC00] =	vst v63  }
0xbf: {  	_ =	swait.ge [sflag:s17], $0x400  }
0xc0: {  	[sflag:s17] =	ssyncset.done $0x0  }
0xc1: {  	[sflag:s17] =	ssyncadd.s32 $0xFFFFFC00  }
0xc2: {  	[bflag:$0x0] =	sbarrier.arrive $0xFFFF  }
0xc3: {  	s12 =	rddreg [dreg:$0xa]  }
0xc4: {  	[hbm:s12], [sflag:s8] =	dma.local [spmem:s16], $0x1400  }
0xc5: {  	_ =	swait.ge [sflag:s17], $0x1400  }
0xc6: {  	[sflag:s17] =	ssyncset.done $0x0  }
0xc7: {  	s13 =	rddreg [dreg:$0xb];
	[sflag:s17] =	ssyncadd.s32 $0xFFFFEC00  }
0xc8: {  	[hbm:s13], [sflag:s8] =	dma.local [spmem:s19], $0x280  }
0xc9: {  	_ =	swait.ge [sflag:s17], $0x280  }
0xca: {  	s9 =	sadd.s32 $0x1, s9;
	s18 =	rddreg [dreg:$0xc]  }
0xcb: {  	p0 =	sne.s32 s9, s18  }
.Ltmp1:
0xcc: {  	_ = 	snop;
	(pc) =	sbr.rel @p0 .LBB2_1-.Ltmp1, $3  }
0xcd: {  	_ =	sdelay $0x1  }
0xce: {  	[sflag:s17] =	ssyncset.done $0x0  }
0xcf: {  	[sflag:s17] =	ssyncadd.s32 $0xFFFFFD80  }
0xd0: {  	_ =	sfence.sel $0x180000  }
0xd1: {  	[bflag:$0x0] =	sbarrier.arrive $0xFFFF  }
0xd2: {  	_ =	strace $0x90000047  }
0xd3: {  	s0 =	stileid.u32;
	[bflag:$0x2] =	sbarrier.arrive $0xFFFF  }
0xd4: {  	p0 =	sne.s32 s0, $0x0;
	s0 =	rddreg [dreg:$0x5]  }
0xd5: {  	s0 =	sadd.s32 @!p0 $0x100000, s0  }
0xd6: {  	[sflag:s0] =	ssyncadd.tile.s32 @!p0 $0x1;
	_ =	shalt  }
.Lfunc_end2:
_tile_overlayer_lowered:
.L_overlay_start_2:
0xd7: {  	(tag) =	ssettag $0x2  }
0xd8: {  	s0 =	rddreg [dreg:$0x0];
	s2 =	stileid.u32  }
0xd9: {  	s1 =	rddreg [dreg:$0x1];
	p0 =	sne.s32 s2, $0x0  }
0xda: {  	s3 =	rddreg [dreg:$0x2];
	[bflag:$0x3] =	sbarrier.arrive $0xFFFF;
	s2 =	simm.s32 @!p0 $0x1C03  }
0xdb: {  	[timem:s3], [sflag:s2] =	dma.local @!p0 [hbm:s0], s1  }
0xdc: {  	s0 =	simm.s32 @!p0 $0x3  }
0xdd: {  	_ =	swait.ge @!p0 [sflag:s0], s1  }
0xde: {  	s1 =	ssub.s32 @!p0 $0x0, s1;
	[sflag:s0] =	ssyncset.done @!p0 $0x0  }
0xdf: {  	[sflag:s0] =	ssyncadd.s32 @!p0 s1  }
0xe0: {  	[bflag:$0x3] =	sbarrier.arrive $0xFFFF  }
0xe1: {  	_ =	shalt  }

</sc_bundles>
